<compile_context>
chip_gen: v7x
topology: tpu7x:2x2x1
jax: 0.10.2.dev20260603
libtpu: 0.0.44.dev20260713+nightly
codegen_flags: <defaults>
</compile_context>

<pallas_src>
import functools

import numpy as np

import jax
import jax.numpy as jnp
from jax import lax
from jax.experimental import pallas as pl
from jax.experimental.pallas import tpu as pltpu
from jax.experimental.pallas import tpu_sc as plsc

C = 384
H = 512
W = 512
N = H * W
NW = 32
G = 16
R = 16
QS = N // G
QD = N // R

_CONSTS = None


def _threefry2x32(k0, k1, x0, x1):
    u32 = np.uint32
    ks = [u32(k0), u32(k1), u32(k0) ^ u32(k1) ^ u32(0x1BD11BDA)]
    x = [x0.astype(u32).copy(), x1.astype(u32).copy()]

    def rounds(x, rots):
        for r in rots:
            x[0] = x[0] + x[1]
            x[1] = (x[1] << u32(r)) | (x[1] >> u32(32 - r))
            x[1] = x[0] ^ x[1]
        return x

    rot0, rot1 = [13, 15, 26, 6], [17, 29, 16, 24]
    x[0] = x[0] + ks[0]
    x[1] = x[1] + ks[1]
    x = rounds(x, rot0)
    x[0] = x[0] + ks[1]
    x[1] = x[1] + ks[2] + u32(1)
    x = rounds(x, rot1)
    x[0] = x[0] + ks[2]
    x[1] = x[1] + ks[0] + u32(2)
    x = rounds(x, rot0)
    x[0] = x[0] + ks[0]
    x[1] = x[1] + ks[1] + u32(3)
    x = rounds(x, rot1)
    x[0] = x[0] + ks[1]
    x[1] = x[1] + ks[2] + u32(4)
    x = rounds(x, rot0)
    x[0] = x[0] + ks[2]
    x[1] = x[1] + ks[0] + u32(5)
    return x[0], x[1]


def _np_permutation(seed, n):
    u32 = np.uint32
    key = (u32(np.int64(seed) >> 32), u32(np.int64(seed) & 0xFFFFFFFF))
    x = np.arange(n, dtype=np.int64)
    num_rounds = int(np.ceil(3 * np.log(max(1, n)) / np.log(2**32 - 1)))
    for _ in range(num_rounds):
        b1, b2 = _threefry2x32(
            key[0], key[1], np.zeros(2, u32), np.arange(2, dtype=u32)
        )
        key, subkey = (b1[0], b2[0]), (b1[1], b2[1])
        c1, c2 = np.zeros(n, u32), np.arange(n, dtype=u32)
        s1, s2 = _threefry2x32(subkey[0], subkey[1], c1, c2)
        x = x[np.argsort(s1 ^ s2, kind="stable")]
    return x


def _pack_pairs(idx):
    m, q = idx.shape
    pairs = idx.reshape(m, q // 32, 2, 16)
    return (pairs[:, :, 0, :] | (pairs[:, :, 1, :] << 16)).astype(
        np.int32
    ).reshape(m, q // 2)


def _consts():
    global _CONSTS
    if _CONSTS is None:
        perm = _np_permutation(0, N)
        inv = np.empty(N, np.int64)
        inv[perm] = np.arange(N)
        g_of = np.arange(N) // QS
        r_of = inv // QD
        key = g_of * R + r_of
        counts = np.bincount(key, minlength=G * R)
        starts = np.concatenate(([0], np.cumsum(counts)[:-1]))
        order = np.argsort(key, kind="stable")
        ranks = np.empty(N, np.int64)
        ranks[order] = np.arange(N) - np.repeat(starts, counts)
        pad = int(-(-counts.max() // 32) * 32)
        assert R * pad < 65536 and G * pad < 65536
        rho = (r_of * pad + ranks).reshape(G, QS)
        sigma = (g_of[perm] * pad + ranks[perm]).reshape(R, QD)
        _CONSTS = (pad, _pack_pairs(rho), _pack_pairs(sigma))
    return _CONSTS


_CPARAMS = dict(
    compiler_params=pltpu.CompilerParams(needs_layout_passes=False),
)



def _make_pass1(pad):
    mesh = plsc.VectorSubcoreMesh(core_axis_name="c", subcore_axis_name="s")

    @functools.partial(
        pl.kernel,
        mesh=mesh,
        out_type=jax.ShapeDtypeStruct((C * G * R * pad,), jnp.float32),
        scratch_types=[
            pltpu.VMEM((QS // 2,), jnp.int32),
            pltpu.VMEM((QS // W, W), jnp.float32),
            pltpu.VMEM((QS // W, W), jnp.float32),
            pltpu.VMEM((R * pad,), jnp.float32),
            pltpu.VMEM((R * pad,), jnp.float32),
            pltpu.SemaphoreType.DMA,
            pltpu.SemaphoreType.DMA,
            pltpu.SemaphoreType.DMA,
            pltpu.SemaphoreType.DMA,
        ],
        **_CPARAMS,
    )
    def pass1(x_hbm, rho_hbm, inter_hbm, rho_v, a0, a1, b0, b1,
              sa0, sa1, sb0, sb1):
        wid = lax.axis_index("s") * 2 + lax.axis_index("c")
        g = wid % G
        par = wid // G
        pltpu.sync_copy(rho_hbm.at[pl.ds(g * (QS // 2), QS // 2)], rho_v)
        npairs = C // 2

        srows = QS // W

        def in_start(i, a_v, sem):
            c = jnp.minimum(i, npairs - 1) * 2 + par
            pltpu.async_copy(
                x_hbm.at[c, pl.ds(g * srows, srows), :], a_v, sem
            )

        def in_wait(a_v, sem):
            pltpu.make_async_copy(
                x_hbm.at[0, pl.ds(0, srows), :], a_v, sem
            ).wait()

        def out_start(i, b_v, sem):
            c = i * 2 + par
            pltpu.async_copy(
                b_v,
                inter_hbm.at[pl.ds((c * G + g) * (R * pad), R * pad)],
                sem,
            )

        def out_wait(b_v, sem):
            pltpu.make_async_copy(
                b_v, inter_hbm.at[pl.ds(0, R * pad)], sem
            ).wait()

        gpr = W // 32

        def shuffle(a_v, b_v):
            @plsc.parallel_loop(0, QS // 32, unroll=8)
            def grp(j):
                packed = rho_v[pl.ds(j * 16, 16)]
                lo = lax.bitwise_and(packed, 0xFFFF)
                hi = lax.shift_right_logical(packed, 16)
                row = j // gpr
                colbase = (j % gpr) * 32
                plsc.store_scatter(
                    b_v, [lo], a_v[row, pl.ds(colbase, 16)]
                )
                plsc.store_scatter(
                    b_v, [hi], a_v[row, pl.ds(colbase + 16, 16)]
                )

        in_start(0, a0, sa0)

        def step(i2, carry):
            for bsel, a_v, b_v, sa, sb in (
                (0, a0, b0, sa0, sb0),
                (1, a1, b1, sa1, sb1),
            ):
                i = i2 * 2 + bsel
                in_wait(a_v, sa)
                in_start(i + 1, (a1, a0)[bsel], (sa1, sa0)[bsel])

                @pl.when(i2 > 0)
                def _():
                    out_wait(b_v, sb)

                shuffle(a_v, b_v)
                out_start(i, b_v, sb)
            return carry

        lax.fori_loop(0, npairs // 2, step, 0)
        in_wait(a0, sa0)
        out_wait(b0, sb0)
        out_wait(b1, sb1)

    return pass1


def _make_pass2(pad):
    mesh = plsc.VectorSubcoreMesh(core_axis_name="c", subcore_axis_name="s")

    @functools.partial(
        pl.kernel,
        mesh=mesh,
        out_type=jax.ShapeDtypeStruct((C, H, W), jnp.float32),
        scratch_types=[
            pltpu.VMEM((QD // 2,), jnp.int32),
            pltpu.VMEM((G * pad,), jnp.float32),
            pltpu.VMEM((G * pad,), jnp.float32),
            pltpu.VMEM((QD // W, W), jnp.float32),
            pltpu.VMEM((QD // W, W), jnp.float32),
            pltpu.SemaphoreType.DMA,
            pltpu.SemaphoreType.DMA,
            pltpu.SemaphoreType.DMA,
            pltpu.SemaphoreType.DMA,
        ],
        **_CPARAMS,
    )
    def pass2(inter_hbm, sigma_hbm, out_hbm, sig_v, rb0, rb1, o0, o1,
              si0, si1, so0, so1):
        wid = lax.axis_index("s") * 2 + lax.axis_index("c")
        r = wid % R
        par = wid // R
        pltpu.sync_copy(sigma_hbm.at[pl.ds(r * (QD // 2), QD // 2)], sig_v)
        npairs = C // 2

        def seg_start(i, rb_v, sem):
            c = jnp.minimum(i, npairs - 1) * 2 + par
            for gp in range(G):
                pltpu.async_copy(
                    inter_hbm.at[pl.ds(((c * G + gp) * R + r) * pad, pad)],
                    rb_v.at[pl.ds(gp * pad, pad)],
                    sem,
                )

        def seg_wait(rb_v, sem):
            pltpu.make_async_copy(
                inter_hbm.at[pl.ds(0, G * pad)], rb_v, sem
            ).wait()

        rows = QD // W

        def out_start(i, o_v, sem):
            c = i * 2 + par
            pltpu.async_copy(
                o_v, out_hbm.at[c, pl.ds(r * rows, rows), :], sem
            )

        def out_wait(o_v, sem):
            pltpu.make_async_copy(
                o_v, out_hbm.at[0, pl.ds(0, rows), :], sem
            ).wait()

        gpr = W // 32

        def gather(rb_v, o_v):
            @plsc.parallel_loop(0, QD // 32, unroll=8)
            def grp(j):
                packed = sig_v[pl.ds(j * 16, 16)]
                lo = lax.bitwise_and(packed, 0xFFFF)
                hi = lax.shift_right_logical(packed, 16)
                row = j // gpr
                colbase = (j % gpr) * 32
                o_v[row, pl.ds(colbase, 16)] = plsc.load_gather(rb_v, [lo])
                o_v[row, pl.ds(colbase + 16, 16)] = plsc.load_gather(
                    rb_v, [hi]
                )

        seg_start(0, rb0, si0)

        def step(i2, carry):
            for bsel, rb_v, o_v, si, so in (
                (0, rb0, o0, si0, so0),
                (1, rb1, o1, si1, so1),
            ):
                i = i2 * 2 + bsel
                seg_wait(rb_v, si)
                seg_start(i + 1, (rb1, rb0)[bsel], (si1, si0)[bsel])

                @pl.when(i2 > 0)
                def _():
                    out_wait(o_v, so)

                gather(rb_v, o_v)
                out_start(i, o_v, so)
            return carry

        lax.fori_loop(0, npairs // 2, step, 0)
        seg_wait(rb0, si0)
        out_wait(o0, so0)
        out_wait(o1, so1)

    return pass2


def kernel(x):
    pad, rho, sigma = _consts()
    rho_j = jnp.asarray(rho.reshape(-1))
    sigma_j = jnp.asarray(sigma.reshape(-1))
    inter = _make_pass1(pad)(x, rho_j)
    return _make_pass2(pad)(inter, sigma_j)

# --- scband reference (transcript-rebuilt; emitter-appended) ---
"""Pipeline reference for scband-permutation-77464030151075 (READ-ONLY COPY).

The authoritative reference and input builder live on the scoring server;
editing this copy changes nothing except your own understanding.
"""

import jax, jax.numpy as jnp
import numpy as np

SEED = 0

def setup_inputs(seed: int = 0) -> dict:
    key = jax.random.key(seed)
    x = jax.random.normal(key, (384, 512, 512), dtype=jnp.float32)
    return {"x": x}

def reference(x):
    c = x.shape[0]
    xshape = x.shape[1:]
    xf = x.reshape(c, -1)
    # Fixed-seed pixel permutation (analog of torch.manual_seed(seed); torch.randperm)
    perm = jax.random.permutation(jax.random.key(SEED), xf.shape[1])
    out = jnp.take(xf, perm, axis=1)
    return out.reshape(c, *xshape)

if __name__ == "__main__":
    import jax
    _d = setup_inputs()
    print(jax.jit(kernel)(*tuple(_d.values())))

</pallas_src>

<mosaic_0001>
#map = affine_map<(d0, d1) -> (0, 0, 0)>
#map1 = affine_map<(d0, d1) -> (0)>
module attributes {stable_mosaic.version = 14 : i64} {
  func.func @pass1(%arg0: i32, %arg1: i32, %arg2: memref<384x512x512xf32, #tpu.memory_space<hbm>>, %arg3: memref<131072xi32, #tpu.memory_space<hbm>>, %arg4: memref<110100480xf32, #tpu.memory_space<hbm>>, %arg5: memref<8192xi32, #tpu.memory_space<vmem>>, %arg6: memref<32x512xf32, #tpu.memory_space<vmem>>, %arg7: memref<32x512xf32, #tpu.memory_space<vmem>>, %arg8: memref<17920xf32, #tpu.memory_space<vmem>>, %arg9: memref<17920xf32, #tpu.memory_space<vmem>>, %arg10: memref<!tpu.dma_semaphore, #tpu.memory_space<semaphore_mem>>, %arg11: memref<!tpu.dma_semaphore, #tpu.memory_space<semaphore_mem>>, %arg12: memref<!tpu.dma_semaphore, #tpu.memory_space<semaphore_mem>>, %arg13: memref<!tpu.dma_semaphore, #tpu.memory_space<semaphore_mem>>) attributes {dimension_semantics = [#tpu.dimension_semantics<core_parallel>, #tpu.dimension_semantics<subcore_parallel>], iteration_bounds = array<i64: 2, 16>, scalar_prefetch = 0 : i64, scratch_operands = 9 : i64, tpu.core_type = #tpu.core_type<sc_vector_subcore>, window_params = [{transform_indices = #map}, {transform_indices = #map1}, {transform_indices = #map1}]} {
    %mul3A = arith.constant 2 : i32
    %mul3A_0 = arith.muli %arg1, %mul3A : i32
    %add3A = arith.addi %mul3A_0, %arg0 : i32
    %jit3A = arith.constant 16 : i32
    %eq3A = arith.constant 0 : i32
    %eq3A_1 = arith.cmpi eq, %jit3A, %eq3A : i32
    %jit3A_2 = arith.constant 1 : i32
    %select_n3A = arith.select %eq3A_1, %jit3A_2, %jit3A : i32
    %rem3A = arith.remsi %add3A, %select_n3A : i32
    %ne3A = arith.constant 0 : i32
    %ne3A_3 = arith.cmpi ne, %rem3A, %ne3A : i32
    %lt3A = arith.constant 0 : i32
    %lt3A_4 = arith.cmpi slt, %rem3A, %lt3A : i32
    %lt3A_5 = arith.constant 0 : i32
    %lt3A_6 = arith.cmpi slt, %select_n3A, %lt3A_5 : i32
    %ne3A_7 = arith.xori %lt3A_4, %lt3A_6 : i1
    %and3A = arith.andi %ne3A_7, %ne3A_3 : i1
    %add3A_8 = arith.addi %rem3A, %select_n3A : i32
    %select_n3A_9 = arith.select %and3A, %add3A_8, %rem3A : i32
    %jit3A_10 = arith.constant 16 : i32
    %div3A = arith.divsi %add3A, %jit3A_10 : i32
    %sign3A = arith.constant 0 : i32
    %sign3A_11 = arith.cmpi sgt, %add3A, %sign3A : i32
    %sign3A_12 = arith.extui %sign3A_11 : i1 to i32
    %sign3A_13 = arith.constant 0 : i32
    %sign3A_14 = arith.cmpi slt, %add3A, %sign3A_13 : i32
    %sign3A_15 = arith.extui %sign3A_14 : i1 to i32
    %sign3A_16 = arith.subi %sign3A_12, %sign3A_15 : i32
    %sign3A_17 = arith.constant 0 : i32
    %sign3A_18 = arith.cmpi sgt, %jit3A_10, %sign3A_17 : i32
    %sign3A_19 = arith.extui %sign3A_18 : i1 to i32
    %sign3A_20 = arith.constant 0 : i32
    %sign3A_21 = arith.cmpi slt, %jit3A_10, %sign3A_20 : i32
    %sign3A_22 = arith.extui %sign3A_21 : i1 to i32
    %sign3A_23 = arith.subi %sign3A_19, %sign3A_22 : i32
    %ne3A_24 = arith.cmpi ne, %sign3A_16, %sign3A_23 : i32
    %rem3A_25 = arith.remsi %add3A, %jit3A_10 : i32
    %ne3A_26 = arith.constant 0 : i32
    %ne3A_27 = arith.cmpi ne, %rem3A_25, %ne3A_26 : i32
    %and3A_28 = arith.andi %ne3A_24, %ne3A_27 : i1
    %sub3A = arith.constant 1 : i32
    %sub3A_29 = arith.subi %div3A, %sub3A : i32
    %select_n3A_30 = arith.select %and3A_28, %sub3A_29, %div3A : i32
    %mul3A_31 = arith.constant 8192 : i32
    %mul3A_32 = arith.muli %select_n3A_9, %mul3A_31 : i32
    "tpu.region"() ({
      %run_scoped3A = tpu.sem_alloc : memref<!tpu.dma_semaphore, #tpu.memory_space<semaphore_mem>>
      %dma_start3A_66 = tpu.memref_slice %arg3[%mul3A_32] : memref<131072xi32, #tpu.memory_space<hbm>> -> memref<8192xi32, #tpu.memory_space<hbm>>
      %dma_start3A_67 = tpu.memref_slice %arg3[%mul3A_32] : memref<131072xi32, #tpu.memory_space<hbm>> -> memref<8192xi32, #tpu.memory_space<hbm>>
      tpu.enqueue_dma source(%dma_start3A_67 : memref<8192xi32, #tpu.memory_space<hbm>>) target(%arg5 : memref<8192xi32, #tpu.memory_space<vmem>>) target_semaphore(%run_scoped3A : memref<!tpu.dma_semaphore, #tpu.memory_space<semaphore_mem>>)
      %dma_wait3A_68 = tpu.memref_slice %arg3[%mul3A_32] : memref<131072xi32, #tpu.memory_space<hbm>> -> memref<8192xi32, #tpu.memory_space<hbm>>
      %dma_wait3A_69 = tpu.memref_slice %arg3[%mul3A_32] : memref<131072xi32, #tpu.memory_space<hbm>> -> memref<8192xi32, #tpu.memory_space<hbm>>
      tpu.wait_dma2 semaphore(%run_scoped3A : memref<!tpu.dma_semaphore, #tpu.memory_space<semaphore_mem>>) src(%dma_wait3A_69 : memref<8192xi32, #tpu.memory_space<hbm>>) dst(%arg5 : memref<8192xi32, #tpu.memory_space<vmem>>)
      tpu.yield
    }) : () -> ()
    %min3A = arith.constant 0 : i32
    %min3A_33 = arith.constant 191 : i32
    %min3A_34 = arith.minsi %min3A, %min3A_33 : i32
    %mul3A_35 = arith.constant 2 : i32
    %mul3A_36 = arith.muli %min3A_34, %mul3A_35 : i32
    %add3A_37 = arith.addi %mul3A_36, %select_n3A_30 : i32
    %mul3A_38 = arith.constant 32 : i32
    %mul3A_39 = arith.muli %select_n3A_9, %mul3A_38 : i32
    %dma_start3A = arith.constant 0 : i32
    %dma_start3A_40 = tpu.memref_slice %arg2[%add3A_37, %mul3A_39, %dma_start3A] : memref<384x512x512xf32, #tpu.memory_space<hbm>> -> memref<1x32x512xf32, #tpu.memory_space<hbm>>
    %dma_start3A_41 = tpu.memref_squeeze %dma_start3A_40 : memref<1x32x512xf32, #tpu.memory_space<hbm>> -> memref<32x512xf32, #tpu.memory_space<hbm>>
    %dma_start3A_42 = arith.constant 0 : i32
    %dma_start3A_43 = tpu.memref_slice %arg2[%add3A_37, %mul3A_39, %dma_start3A_42] : memref<384x512x512xf32, #tpu.memory_space<hbm>> -> memref<1x32x512xf32, #tpu.memory_space<hbm>>
    %dma_start3A_44 = tpu.memref_squeeze %dma_start3A_43 : memref<1x32x512xf32, #tpu.memory_space<hbm>> -> memref<32x512xf32, #tpu.memory_space<hbm>>
    tpu.enqueue_dma source(%dma_start3A_44 : memref<32x512xf32, #tpu.memory_space<hbm>>) target(%arg6 : memref<32x512xf32, #tpu.memory_space<vmem>>) target_semaphore(%arg10 : memref<!tpu.dma_semaphore, #tpu.memory_space<semaphore_mem>>)
    %scan3A = arith.constant 0 : i32
    %scan3A_45 = arith.constant 0 : i32
    %scan3A_46 = arith.constant 96 : i32
    %scan3A_47 = arith.addi %scan3A_45, %scan3A_46 : i32
    %scan3A_48 = arith.constant 1 : i32
    scf.for %scan3A_66 = %scan3A_45 to %scan3A_47 step %scan3A_48  : i32 {
      %mul3A_67 = arith.constant 2 : i32
      %mul3A_68 = arith.muli %scan3A_66, %mul3A_67 : i32
      %add3A_69 = arith.constant 0 : i32
      %add3A_70 = arith.addi %mul3A_68, %add3A_69 : i32
      %dma_wait3A_71 = arith.constant 0 : i32
      %dma_wait3A_72 = arith.constant 0 : i32
      %dma_wait3A_73 = arith.constant 0 : i32
      %dma_wait3A_74 = tpu.memref_slice %arg2[%dma_wait3A_71, %dma_wait3A_72, %dma_wait3A_73] : memref<384x512x512xf32, #tpu.memory_space<hbm>> -> memref<1x32x512xf32, #tpu.memory_space<hbm>>
      %dma_wait3A_75 = tpu.memref_squeeze %dma_wait3A_74 : memref<1x32x512xf32, #tpu.memory_space<hbm>> -> memref<32x512xf32, #tpu.memory_space<hbm>>
      %dma_wait3A_76 = arith.constant 0 : i32
      %dma_wait3A_77 = arith.constant 0 : i32
      %dma_wait3A_78 = tpu.memref_slice %arg2[%dma_wait3A_71, %dma_wait3A_76, %dma_wait3A_77] : memref<384x512x512xf32, #tpu.memory_space<hbm>> -> memref<1x32x512xf32, #tpu.memory_space<hbm>>
      %dma_wait3A_79 = tpu.memref_squeeze %dma_wait3A_78 : memref<1x32x512xf32, #tpu.memory_space<hbm>> -> memref<32x512xf32, #tpu.memory_space<hbm>>
      tpu.wait_dma2 semaphore(%arg10 : memref<!tpu.dma_semaphore, #tpu.memory_space<semaphore_mem>>) src(%dma_wait3A_79 : memref<32x512xf32, #tpu.memory_space<hbm>>) dst(%arg6 : memref<32x512xf32, #tpu.memory_space<vmem>>)
      %add3A_80 = arith.constant 1 : i32
      %add3A_81 = arith.addi %add3A_70, %add3A_80 : i32
      %min3A_82 = arith.constant 191 : i32
      %min3A_83 = arith.minsi %add3A_81, %min3A_82 : i32
      %mul3A_84 = arith.constant 2 : i32
      %mul3A_85 = arith.muli %min3A_83, %mul3A_84 : i32
      %add3A_86 = arith.addi %mul3A_85, %select_n3A_30 : i32
      %mul3A_87 = arith.constant 32 : i32
      %mul3A_88 = arith.muli %select_n3A_9, %mul3A_87 : i32
      %dma_start3A_89 = arith.constant 0 : i32
      %dma_start3A_90 = tpu.memref_slice %arg2[%add3A_86, %mul3A_88, %dma_start3A_89] : memref<384x512x512xf32, #tpu.memory_space<hbm>> -> memref<1x32x512xf32, #tpu.memory_space<hbm>>
      %dma_start3A_91 = tpu.memref_squeeze %dma_start3A_90 : memref<1x32x512xf32, #tpu.memory_space<hbm>> -> memref<32x512xf32, #tpu.memory_space<hbm>>
      %dma_start3A_92 = arith.constant 0 : i32
      %dma_start3A_93 = tpu.memref_slice %arg2[%add3A_86, %mul3A_88, %dma_start3A_92] : memref<384x512x512xf32, #tpu.memory_space<hbm>> -> memref<1x32x512xf32, #tpu.memory_space<hbm>>
      %dma_start3A_94 = tpu.memref_squeeze %dma_start3A_93 : memref<1x32x512xf32, #tpu.memory_space<hbm>> -> memref<32x512xf32, #tpu.memory_space<hbm>>
      tpu.enqueue_dma source(%dma_start3A_94 : memref<32x512xf32, #tpu.memory_space<hbm>>) target(%arg7 : memref<32x512xf32, #tpu.memory_space<vmem>>) target_semaphore(%arg11 : memref<!tpu.dma_semaphore, #tpu.memory_space<semaphore_mem>>)
      %gt3A = arith.constant 0 : i32
      %gt3A_95 = arith.cmpi sgt, %scan3A_66, %gt3A : i32
      %convert_element_type3A = arith.extui %gt3A_95 : i1 to i32
      %cond3A = arith.constant 0 : i32
      %cond3A_96 = arith.cmpi ne, %convert_element_type3A, %cond3A : i32
      scf.if %cond3A_96 {
        %dma_wait3A_155 = arith.constant 0 : i32
        %dma_wait3A_156 = tpu.memref_slice %arg4[%dma_wait3A_155] : memref<110100480xf32, #tpu.memory_space<hbm>> -> memref<17920xf32, #tpu.memory_space<hbm>>
        %dma_wait3A_157 = arith.constant 0 : i32
        %dma_wait3A_158 = tpu.memref_slice %arg4[%dma_wait3A_157] : memref<110100480xf32, #tpu.memory_space<hbm>> -> memref<17920xf32, #tpu.memory_space<hbm>>
        tpu.wait_dma2 semaphore(%arg12 : memref<!tpu.dma_semaphore, #tpu.memory_space<semaphore_mem>>) src(%arg8 : memref<17920xf32, #tpu.memory_space<vmem>>) dst(%dma_wait3A_158 : memref<17920xf32, #tpu.memory_space<hbm>>)
      } else {
      }
      %parallel_loop3A = arith.constant 0 : i32
      %parallel_loop3A_97 = arith.constant 512 : i32
      %parallel_loop3A_98 = arith.constant 1 : i32
      scf.for %parallel_loop3A_155 = %parallel_loop3A to %parallel_loop3A_97 step %parallel_loop3A_98  : i32 {
        %parallel_loop3A_156 = arith.constant 16 : i32
        %parallel_loop3A_157 = arith.muli %parallel_loop3A_155, %parallel_loop3A_156 : i32
        %parallel_loop3A_158 = arith.index_cast %parallel_loop3A_157 : i32 to index
        %parallel_loop3A_159 = tpu.vector_load %arg5[%parallel_loop3A_158] {strides = array<i32>} : memref<8192xi32, #tpu.memory_space<vmem>>, vector<16xi32>,
        %parallel_loop3A_160 = arith.constant 65535 : i32
        %parallel_loop3A_161 = vector.broadcast %parallel_loop3A_160 : i32 to vector<16xi32>
        %parallel_loop3A_162 = arith.andi %parallel_loop3A_159, %parallel_loop3A_161 : vector<16xi32>
        %parallel_loop3A_163 = arith.constant 16 : i32
        %parallel_loop3A_164 = vector.broadcast %parallel_loop3A_163 : i32 to vector<16xi32>
        %parallel_loop3A_165 = arith.shrui %parallel_loop3A_159, %parallel_loop3A_164 : vector<16xi32>
        %parallel_loop3A_166 = arith.constant 16 : i32
        %parallel_loop3A_167 = arith.divsi %parallel_loop3A_155, %parallel_loop3A_166 : i32
        %parallel_loop3A_168 = arith.constant 0 : i32
        %parallel_loop3A_169 = arith.cmpi sgt, %parallel_loop3A_155, %parallel_loop3A_168 : i32
        %parallel_loop3A_170 = arith.extui %parallel_loop3A_169 : i1 to i32
        %parallel_loop3A_171 = arith.constant 0 : i32
        %parallel_loop3A_172 = arith.cmpi slt, %parallel_loop3A_155, %parallel_loop3A_171 : i32
        %parallel_loop3A_173 = arith.extui %parallel_loop3A_172 : i1 to i32
        %parallel_loop3A_174 = arith.subi %parallel_loop3A_170, %parallel_loop3A_173 : i32
        %parallel_loop3A_175 = arith.constant 0 : i32
        %parallel_loop3A_176 = arith.cmpi sgt, %parallel_loop3A_166, %parallel_loop3A_175 : i32
        %parallel_loop3A_177 = arith.extui %parallel_loop3A_176 : i1 to i32
        %parallel_loop3A_178 = arith.constant 0 : i32
        %parallel_loop3A_179 = arith.cmpi slt, %parallel_loop3A_166, %parallel_loop3A_178 : i32
        %parallel_loop3A_180 = arith.extui %parallel_loop3A_179 : i1 to i32
        %parallel_loop3A_181 = arith.subi %parallel_loop3A_177, %parallel_loop3A_180 : i32
        %parallel_loop3A_182 = arith.cmpi ne, %parallel_loop3A_174, %parallel_loop3A_181 : i32
        %parallel_loop3A_183 = arith.remsi %parallel_loop3A_155, %parallel_loop3A_166 : i32
        %parallel_loop3A_184 = arith.constant 0 : i32
        %parallel_loop3A_185 = arith.cmpi ne, %parallel_loop3A_183, %parallel_loop3A_184 : i32
        %parallel_loop3A_186 = arith.andi %parallel_loop3A_182, %parallel_loop3A_185 : i1
        %parallel_loop3A_187 = arith.constant 1 : i32
        %parallel_loop3A_188 = arith.subi %parallel_loop3A_167, %parallel_loop3A_187 : i32
        %parallel_loop3A_189 = arith.select %parallel_loop3A_186, %parallel_loop3A_188, %parallel_loop3A_167 : i32
        %parallel_loop3A_190 = arith.constant 16 : i32
        %parallel_loop3A_191 = arith.constant 0 : i32
        %parallel_loop3A_192 = arith.cmpi eq, %parallel_loop3A_190, %parallel_loop3A_191 : i32
        %parallel_loop3A_193 = arith.constant 1 : i32
        %parallel_loop3A_194 = arith.select %parallel_loop3A_192, %parallel_loop3A_193, %parallel_loop3A_190 : i32
        %parallel_loop3A_195 = arith.remsi %parallel_loop3A_155, %parallel_loop3A_194 : i32
        %parallel_loop3A_196 = arith.constant 0 : i32
        %parallel_loop3A_197 = arith.cmpi ne, %parallel_loop3A_195, %parallel_loop3A_196 : i32
        %parallel_loop3A_198 = arith.constant 0 : i32
        %parallel_loop3A_199 = arith.cmpi slt, %parallel_loop3A_195, %parallel_loop3A_198 : i32
        %parallel_loop3A_200 = arith.constant 0 : i32
        %parallel_loop3A_201 = arith.cmpi slt, %parallel_loop3A_194, %parallel_loop3A_200 : i32
        %parallel_loop3A_202 = arith.xori %parallel_loop3A_199, %parallel_loop3A_201 : i1
        %parallel_loop3A_203 = arith.andi %parallel_loop3A_202, %parallel_loop3A_197 : i1
        %parallel_loop3A_204 = arith.addi %parallel_loop3A_195, %parallel_loop3A_194 : i32
        %parallel_loop3A_205 = arith.select %parallel_loop3A_203, %parallel_loop3A_204, %parallel_loop3A_195 : i32
        %parallel_loop3A_206 = arith.constant 32 : i32
        %parallel_loop3A_207 = arith.muli %parallel_loop3A_205, %parallel_loop3A_206 : i32
        %parallel_loop3A_208 = arith.index_cast %parallel_loop3A_189 : i32 to index
        %parallel_loop3A_209 = arith.index_cast %parallel_loop3A_207 : i32 to index
        %parallel_loop3A_210 = tpu.vector_load %arg6[%parallel_loop3A_208, %parallel_loop3A_209] {strides = array<i32>} : memref<32x512xf32, #tpu.memory_space<vmem>>, vector<16xf32>,
        tpu.vector_store_idx %arg8[%parallel_loop3A_162], %parallel_loop3A_210 : memref<17920xf32, #tpu.memory_space<vmem>>[vector<16xi32>], vector<16xf32>,
        %parallel_loop3A_211 = arith.constant 16 : i32
        %parallel_loop3A_212 = arith.addi %parallel_loop3A_207, %parallel_loop3A_211 : i32
        %parallel_loop3A_213 = arith.index_cast %parallel_loop3A_189 : i32 to index
        %parallel_loop3A_214 = arith.index_cast %parallel_loop3A_212 : i32 to index
        %parallel_loop3A_215 = tpu.vector_load %arg6[%parallel_loop3A_213, %parallel_loop3A_214] {strides = array<i32>} : memref<32x512xf32, #tpu.memory_space<vmem>>, vector<16xf32>,
        tpu.vector_store_idx %arg8[%parallel_loop3A_165], %parallel_loop3A_215 : memref<17920xf32, #tpu.memory_space<vmem>>[vector<16xi32>], vector<16xf32>,
      } {sc.loop_unroll_factor = 8 : i64, sc.parallel_access}
      %mul3A_99 = arith.constant 2 : i32
      %mul3A_100 = arith.muli %add3A_70, %mul3A_99 : i32
      %add3A_101 = arith.addi %mul3A_100, %select_n3A_30 : i32
      %mul3A_102 = arith.constant 16 : i32
      %mul3A_103 = arith.muli %add3A_101, %mul3A_102 : i32
      %add3A_104 = arith.addi %mul3A_103, %select_n3A_9 : i32
      %mul3A_105 = arith.constant 17920 : i32
      %mul3A_106 = arith.muli %add3A_104, %mul3A_105 : i32
      %dma_start3A_107 = tpu.memref_slice %arg4[%mul3A_106] : memref<110100480xf32, #tpu.memory_space<hbm>> -> memref<17920xf32, #tpu.memory_space<hbm>>
      %dma_start3A_108 = tpu.memref_slice %arg4[%mul3A_106] : memref<110100480xf32, #tpu.memory_space<hbm>> -> memref<17920xf32, #tpu.memory_space<hbm>>
      tpu.enqueue_dma source(%arg8 : memref<17920xf32, #tpu.memory_space<vmem>>) target(%dma_start3A_108 : memref<17920xf32, #tpu.memory_space<hbm>>) target_semaphore(%arg12 : memref<!tpu.dma_semaphore, #tpu.memory_space<semaphore_mem>>)
      %mul3A_109 = arith.constant 2 : i32
      %mul3A_110 = arith.muli %scan3A_66, %mul3A_109 : i32
      %add3A_111 = arith.constant 1 : i32
      %add3A_112 = arith.addi %mul3A_110, %add3A_111 : i32
      %dma_wait3A_113 = arith.constant 0 : i32
      %dma_wait3A_114 = arith.constant 0 : i32
      %dma_wait3A_115 = arith.constant 0 : i32
      %dma_wait3A_116 = tpu.memref_slice %arg2[%dma_wait3A_113, %dma_wait3A_114, %dma_wait3A_115] : memref<384x512x512xf32, #tpu.memory_space<hbm>> -> memref<1x32x512xf32, #tpu.memory_space<hbm>>
      %dma_wait3A_117 = tpu.memref_squeeze %dma_wait3A_116 : memref<1x32x512xf32, #tpu.memory_space<hbm>> -> memref<32x512xf32, #tpu.memory_space<hbm>>
      %dma_wait3A_118 = arith.constant 0 : i32
      %dma_wait3A_119 = arith.constant 0 : i32
      %dma_wait3A_120 = tpu.memref_slice %arg2[%dma_wait3A_113, %dma_wait3A_118, %dma_wait3A_119] : memref<384x512x512xf32, #tpu.memory_space<hbm>> -> memref<1x32x512xf32, #tpu.memory_space<hbm>>
      %dma_wait3A_121 = tpu.memref_squeeze %dma_wait3A_120 : memref<1x32x512xf32, #tpu.memory_space<hbm>> -> memref<32x512xf32, #tpu.memory_space<hbm>>
      tpu.wait_dma2 semaphore(%arg11 : memref<!tpu.dma_semaphore, #tpu.memory_space<semaphore_mem>>) src(%dma_wait3A_121 : memref<32x512xf32, #tpu.memory_space<hbm>>) dst(%arg7 : memref<32x512xf32, #tpu.memory_space<vmem>>)
      %add3A_122 = arith.constant 1 : i32
      %add3A_123 = arith.addi %add3A_112, %add3A_122 : i32
      %min3A_124 = arith.constant 191 : i32
      %min3A_125 = arith.minsi %add3A_123, %min3A_124 : i32
      %mul3A_126 = arith.constant 2 : i32
      %mul3A_127 = arith.muli %min3A_125, %mul3A_126 : i32
      %add3A_128 = arith.addi %mul3A_127, %select_n3A_30 : i32
      %mul3A_129 = arith.constant 32 : i32
      %mul3A_130 = arith.muli %select_n3A_9, %mul3A_129 : i32
      %dma_start3A_131 = arith.constant 0 : i32
      %dma_start3A_132 = tpu.memref_slice %arg2[%add3A_128, %mul3A_130, %dma_start3A_131] : memref<384x512x512xf32, #tpu.memory_space<hbm>> -> memref<1x32x512xf32, #tpu.memory_space<hbm>>
      %dma_start3A_133 = tpu.memref_squeeze %dma_start3A_132 : memref<1x32x512xf32, #tpu.memory_space<hbm>> -> memref<32x512xf32, #tpu.memory_space<hbm>>
      %dma_start3A_134 = arith.constant 0 : i32
      %dma_start3A_135 = tpu.memref_slice %arg2[%add3A_128, %mul3A_130, %dma_start3A_134] : memref<384x512x512xf32, #tpu.memory_space<hbm>> -> memref<1x32x512xf32, #tpu.memory_space<hbm>>
      %dma_start3A_136 = tpu.memref_squeeze %dma_start3A_135 : memref<1x32x512xf32, #tpu.memory_space<hbm>> -> memref<32x512xf32, #tpu.memory_space<hbm>>
      tpu.enqueue_dma source(%dma_start3A_136 : memref<32x512xf32, #tpu.memory_space<hbm>>) target(%arg6 : memref<32x512xf32, #tpu.memory_space<vmem>>) target_semaphore(%arg10 : memref<!tpu.dma_semaphore, #tpu.memory_space<semaphore_mem>>)
      %gt3A_137 = arith.constant 0 : i32
      %gt3A_138 = arith.cmpi sgt, %scan3A_66, %gt3A_137 : i32
      %convert_element_type3A_139 = arith.extui %gt3A_138 : i1 to i32
      %cond3A_140 = arith.constant 0 : i32
      %cond3A_141 = arith.cmpi ne, %convert_element_type3A_139, %cond3A_140 : i32
      scf.if %cond3A_141 {
        %dma_wait3A_155 = arith.constant 0 : i32
        %dma_wait3A_156 = tpu.memref_slice %arg4[%dma_wait3A_155] : memref<110100480xf32, #tpu.memory_space<hbm>> -> memref<17920xf32, #tpu.memory_space<hbm>>
        %dma_wait3A_157 = arith.constant 0 : i32
        %dma_wait3A_158 = tpu.memref_slice %arg4[%dma_wait3A_157] : memref<110100480xf32, #tpu.memory_space<hbm>> -> memref<17920xf32, #tpu.memory_space<hbm>>
        tpu.wait_dma2 semaphore(%arg13 : memref<!tpu.dma_semaphore, #tpu.memory_space<semaphore_mem>>) src(%arg9 : memref<17920xf32, #tpu.memory_space<vmem>>) dst(%dma_wait3A_158 : memref<17920xf32, #tpu.memory_space<hbm>>)
      } else {
      }
      %parallel_loop3A_142 = arith.constant 0 : i32
      %parallel_loop3A_143 = arith.constant 512 : i32
      %parallel_loop3A_144 = arith.constant 1 : i32
      scf.for %parallel_loop3A_155 = %parallel_loop3A_142 to %parallel_loop3A_143 step %parallel_loop3A_144  : i32 {
        %parallel_loop3A_156 = arith.constant 16 : i32
        %parallel_loop3A_157 = arith.muli %parallel_loop3A_155, %parallel_loop3A_156 : i32
        %parallel_loop3A_158 = arith.index_cast %parallel_loop3A_157 : i32 to index
        %parallel_loop3A_159 = tpu.vector_load %arg5[%parallel_loop3A_158] {strides = array<i32>} : memref<8192xi32, #tpu.memory_space<vmem>>, vector<16xi32>,
        %parallel_loop3A_160 = arith.constant 65535 : i32
        %parallel_loop3A_161 = vector.broadcast %parallel_loop3A_160 : i32 to vector<16xi32>
        %parallel_loop3A_162 = arith.andi %parallel_loop3A_159, %parallel_loop3A_161 : vector<16xi32>
        %parallel_loop3A_163 = arith.constant 16 : i32
        %parallel_loop3A_164 = vector.broadcast %parallel_loop3A_163 : i32 to vector<16xi32>
        %parallel_loop3A_165 = arith.shrui %parallel_loop3A_159, %parallel_loop3A_164 : vector<16xi32>
        %parallel_loop3A_166 = arith.constant 16 : i32
        %parallel_loop3A_167 = arith.divsi %parallel_loop3A_155, %parallel_loop3A_166 : i32
        %parallel_loop3A_168 = arith.constant 0 : i32
        %parallel_loop3A_169 = arith.cmpi sgt, %parallel_loop3A_155, %parallel_loop3A_168 : i32
        %parallel_loop3A_170 = arith.extui %parallel_loop3A_169 : i1 to i32
        %parallel_loop3A_171 = arith.constant 0 : i32
        %parallel_loop3A_172 = arith.cmpi slt, %parallel_loop3A_155, %parallel_loop3A_171 : i32
        %parallel_loop3A_173 = arith.extui %parallel_loop3A_172 : i1 to i32
        %parallel_loop3A_174 = arith.subi %parallel_loop3A_170, %parallel_loop3A_173 : i32
        %parallel_loop3A_175 = arith.constant 0 : i32
        %parallel_loop3A_176 = arith.cmpi sgt, %parallel_loop3A_166, %parallel_loop3A_175 : i32
        %parallel_loop3A_177 = arith.extui %parallel_loop3A_176 : i1 to i32
        %parallel_loop3A_178 = arith.constant 0 : i32
        %parallel_loop3A_179 = arith.cmpi slt, %parallel_loop3A_166, %parallel_loop3A_178 : i32
        %parallel_loop3A_180 = arith.extui %parallel_loop3A_179 : i1 to i32
        %parallel_loop3A_181 = arith.subi %parallel_loop3A_177, %parallel_loop3A_180 : i32
        %parallel_loop3A_182 = arith.cmpi ne, %parallel_loop3A_174, %parallel_loop3A_181 : i32
        %parallel_loop3A_183 = arith.remsi %parallel_loop3A_155, %parallel_loop3A_166 : i32
        %parallel_loop3A_184 = arith.constant 0 : i32
        %parallel_loop3A_185 = arith.cmpi ne, %parallel_loop3A_183, %parallel_loop3A_184 : i32
        %parallel_loop3A_186 = arith.andi %parallel_loop3A_182, %parallel_loop3A_185 : i1
        %parallel_loop3A_187 = arith.constant 1 : i32
        %parallel_loop3A_188 = arith.subi %parallel_loop3A_167, %parallel_loop3A_187 : i32
        %parallel_loop3A_189 = arith.select %parallel_loop3A_186, %parallel_loop3A_188, %parallel_loop3A_167 : i32
        %parallel_loop3A_190 = arith.constant 16 : i32
        %parallel_loop3A_191 = arith.constant 0 : i32
        %parallel_loop3A_192 = arith.cmpi eq, %parallel_loop3A_190, %parallel_loop3A_191 : i32
        %parallel_loop3A_193 = arith.constant 1 : i32
        %parallel_loop3A_194 = arith.select %parallel_loop3A_192, %parallel_loop3A_193, %parallel_loop3A_190 : i32
        %parallel_loop3A_195 = arith.remsi %parallel_loop3A_155, %parallel_loop3A_194 : i32
        %parallel_loop3A_196 = arith.constant 0 : i32
        %parallel_loop3A_197 = arith.cmpi ne, %parallel_loop3A_195, %parallel_loop3A_196 : i32
        %parallel_loop3A_198 = arith.constant 0 : i32
        %parallel_loop3A_199 = arith.cmpi slt, %parallel_loop3A_195, %parallel_loop3A_198 : i32
        %parallel_loop3A_200 = arith.constant 0 : i32
        %parallel_loop3A_201 = arith.cmpi slt, %parallel_loop3A_194, %parallel_loop3A_200 : i32
        %parallel_loop3A_202 = arith.xori %parallel_loop3A_199, %parallel_loop3A_201 : i1
        %parallel_loop3A_203 = arith.andi %parallel_loop3A_202, %parallel_loop3A_197 : i1
        %parallel_loop3A_204 = arith.addi %parallel_loop3A_195, %parallel_loop3A_194 : i32
        %parallel_loop3A_205 = arith.select %parallel_loop3A_203, %parallel_loop3A_204, %parallel_loop3A_195 : i32
        %parallel_loop3A_206 = arith.constant 32 : i32
        %parallel_loop3A_207 = arith.muli %parallel_loop3A_205, %parallel_loop3A_206 : i32
        %parallel_loop3A_208 = arith.index_cast %parallel_loop3A_189 : i32 to index
        %parallel_loop3A_209 = arith.index_cast %parallel_loop3A_207 : i32 to index
        %parallel_loop3A_210 = tpu.vector_load %arg7[%parallel_loop3A_208, %parallel_loop3A_209] {strides = array<i32>} : memref<32x512xf32, #tpu.memory_space<vmem>>, vector<16xf32>,
        tpu.vector_store_idx %arg9[%parallel_loop3A_162], %parallel_loop3A_210 : memref<17920xf32, #tpu.memory_space<vmem>>[vector<16xi32>], vector<16xf32>,
        %parallel_loop3A_211 = arith.constant 16 : i32
        %parallel_loop3A_212 = arith.addi %parallel_loop3A_207, %parallel_loop3A_211 : i32
        %parallel_loop3A_213 = arith.index_cast %parallel_loop3A_189 : i32 to index
        %parallel_loop3A_214 = arith.index_cast %parallel_loop3A_212 : i32 to index
        %parallel_loop3A_215 = tpu.vector_load %arg7[%parallel_loop3A_213, %parallel_loop3A_214] {strides = array<i32>} : memref<32x512xf32, #tpu.memory_space<vmem>>, vector<16xf32>,
        tpu.vector_store_idx %arg9[%parallel_loop3A_165], %parallel_loop3A_215 : memref<17920xf32, #tpu.memory_space<vmem>>[vector<16xi32>], vector<16xf32>,
      } {sc.loop_unroll_factor = 8 : i64, sc.parallel_access}
      %mul3A_145 = arith.constant 2 : i32
      %mul3A_146 = arith.muli %add3A_112, %mul3A_145 : i32
      %add3A_147 = arith.addi %mul3A_146, %select_n3A_30 : i32
      %mul3A_148 = arith.constant 16 : i32
      %mul3A_149 = arith.muli %add3A_147, %mul3A_148 : i32
      %add3A_150 = arith.addi %mul3A_149, %select_n3A_9 : i32
      %mul3A_151 = arith.constant 17920 : i32
      %mul3A_152 = arith.muli %add3A_150, %mul3A_151 : i32
      %dma_start3A_153 = tpu.memref_slice %arg4[%mul3A_152] : memref<110100480xf32, #tpu.memory_space<hbm>> -> memref<17920xf32, #tpu.memory_space<hbm>>
      %dma_start3A_154 = tpu.memref_slice %arg4[%mul3A_152] : memref<110100480xf32, #tpu.memory_space<hbm>> -> memref<17920xf32, #tpu.memory_space<hbm>>
      tpu.enqueue_dma source(%arg9 : memref<17920xf32, #tpu.memory_space<vmem>>) target(%dma_start3A_154 : memref<17920xf32, #tpu.memory_space<hbm>>) target_semaphore(%arg13 : memref<!tpu.dma_semaphore, #tpu.memory_space<semaphore_mem>>)
    }
    %scan3A_49 = arith.constant 96 : i32
    %dma_wait3A = arith.constant 0 : i32
    %dma_wait3A_50 = arith.constant 0 : i32
    %dma_wait3A_51 = arith.constant 0 : i32
    %dma_wait3A_52 = tpu.memref_slice %arg2[%dma_wait3A, %dma_wait3A_50, %dma_wait3A_51] : memref<384x512x512xf32, #tpu.memory_space<hbm>> -> memref<1x32x512xf32, #tpu.memory_space<hbm>>
    %dma_wait3A_53 = tpu.memref_squeeze %dma_wait3A_52 : memref<1x32x512xf32, #tpu.memory_space<hbm>> -> memref<32x512xf32, #tpu.memory_space<hbm>>
    %dma_wait3A_54 = arith.constant 0 : i32
    %dma_wait3A_55 = arith.constant 0 : i32
    %dma_wait3A_56 = tpu.memref_slice %arg2[%dma_wait3A, %dma_wait3A_54, %dma_wait3A_55] : memref<384x512x512xf32, #tpu.memory_space<hbm>> -> memref<1x32x512xf32, #tpu.memory_space<hbm>>
    %dma_wait3A_57 = tpu.memref_squeeze %dma_wait3A_56 : memref<1x32x512xf32, #tpu.memory_space<hbm>> -> memref<32x512xf32, #tpu.memory_space<hbm>>
    tpu.wait_dma2 semaphore(%arg10 : memref<!tpu.dma_semaphore, #tpu.memory_space<semaphore_mem>>) src(%dma_wait3A_57 : memref<32x512xf32, #tpu.memory_space<hbm>>) dst(%arg6 : memref<32x512xf32, #tpu.memory_space<vmem>>)
    %dma_wait3A_58 = arith.constant 0 : i32
    %dma_wait3A_59 = tpu.memref_slice %arg4[%dma_wait3A_58] : memref<110100480xf32, #tpu.memory_space<hbm>> -> memref<17920xf32, #tpu.memory_space<hbm>>
    %dma_wait3A_60 = arith.constant 0 : i32
    %dma_wait3A_61 = tpu.memref_slice %arg4[%dma_wait3A_60] : memref<110100480xf32, #tpu.memory_space<hbm>> -> memref<17920xf32, #tpu.memory_space<hbm>>
    tpu.wait_dma2 semaphore(%arg12 : memref<!tpu.dma_semaphore, #tpu.memory_space<semaphore_mem>>) src(%arg8 : memref<17920xf32, #tpu.memory_space<vmem>>) dst(%dma_wait3A_61 : memref<17920xf32, #tpu.memory_space<hbm>>)
    %dma_wait3A_62 = arith.constant 0 : i32
    %dma_wait3A_63 = tpu.memref_slice %arg4[%dma_wait3A_62] : memref<110100480xf32, #tpu.memory_space<hbm>> -> memref<17920xf32, #tpu.memory_space<hbm>>
    %dma_wait3A_64 = arith.constant 0 : i32
    %dma_wait3A_65 = tpu.memref_slice %arg4[%dma_wait3A_64] : memref<110100480xf32, #tpu.memory_space<hbm>> -> memref<17920xf32, #tpu.memory_space<hbm>>
    tpu.wait_dma2 semaphore(%arg13 : memref<!tpu.dma_semaphore, #tpu.memory_space<semaphore_mem>>) src(%arg9 : memref<17920xf32, #tpu.memory_space<vmem>>) dst(%dma_wait3A_65 : memref<17920xf32, #tpu.memory_space<hbm>>)
    return
  }
}

#map = affine_map<(d0, d1) -> (0)>
#map1 = affine_map<(d0, d1) -> (0, 0, 0)>
module attributes {stable_mosaic.version = 14 : i64} {
  func.func @pass2(%arg0: i32, %arg1: i32, %arg2: memref<110100480xf32, #tpu.memory_space<hbm>>, %arg3: memref<131072xi32, #tpu.memory_space<hbm>>, %arg4: memref<384x512x512xf32, #tpu.memory_space<hbm>>, %arg5: memref<8192xi32, #tpu.memory_space<vmem>>, %arg6: memref<17920xf32, #tpu.memory_space<vmem>>, %arg7: memref<17920xf32, #tpu.memory_space<vmem>>, %arg8: memref<32x512xf32, #tpu.memory_space<vmem>>, %arg9: memref<32x512xf32, #tpu.memory_space<vmem>>, %arg10: memref<!tpu.dma_semaphore, #tpu.memory_space<semaphore_mem>>, %arg11: memref<!tpu.dma_semaphore, #tpu.memory_space<semaphore_mem>>, %arg12: memref<!tpu.dma_semaphore, #tpu.memory_space<semaphore_mem>>, %arg13: memref<!tpu.dma_semaphore, #tpu.memory_space<semaphore_mem>>) attributes {dimension_semantics = [#tpu.dimension_semantics<core_parallel>, #tpu.dimension_semantics<subcore_parallel>], iteration_bounds = array<i64: 2, 16>, scalar_prefetch = 0 : i64, scratch_operands = 9 : i64, tpu.core_type = #tpu.core_type<sc_vector_subcore>, window_params = [{transform_indices = #map}, {transform_indices = #map}, {transform_indices = #map1}]} {
    %mul3A = arith.constant 2 : i32
    %mul3A_0 = arith.muli %arg1, %mul3A : i32
    %add3A = arith.addi %mul3A_0, %arg0 : i32
    %jit3A = arith.constant 16 : i32
    %eq3A = arith.constant 0 : i32
    %eq3A_1 = arith.cmpi eq, %jit3A, %eq3A : i32
    %jit3A_2 = arith.constant 1 : i32
    %select_n3A = arith.select %eq3A_1, %jit3A_2, %jit3A : i32
    %rem3A = arith.remsi %add3A, %select_n3A : i32
    %ne3A = arith.constant 0 : i32
    %ne3A_3 = arith.cmpi ne, %rem3A, %ne3A : i32
    %lt3A = arith.constant 0 : i32
    %lt3A_4 = arith.cmpi slt, %rem3A, %lt3A : i32
    %lt3A_5 = arith.constant 0 : i32
    %lt3A_6 = arith.cmpi slt, %select_n3A, %lt3A_5 : i32
    %ne3A_7 = arith.xori %lt3A_4, %lt3A_6 : i1
    %and3A = arith.andi %ne3A_7, %ne3A_3 : i1
    %add3A_8 = arith.addi %rem3A, %select_n3A : i32
    %select_n3A_9 = arith.select %and3A, %add3A_8, %rem3A : i32
    %jit3A_10 = arith.constant 16 : i32
    %div3A = arith.divsi %add3A, %jit3A_10 : i32
    %sign3A = arith.constant 0 : i32
    %sign3A_11 = arith.cmpi sgt, %add3A, %sign3A : i32
    %sign3A_12 = arith.extui %sign3A_11 : i1 to i32
    %sign3A_13 = arith.constant 0 : i32
    %sign3A_14 = arith.cmpi slt, %add3A, %sign3A_13 : i32
    %sign3A_15 = arith.extui %sign3A_14 : i1 to i32
    %sign3A_16 = arith.subi %sign3A_12, %sign3A_15 : i32
    %sign3A_17 = arith.constant 0 : i32
    %sign3A_18 = arith.cmpi sgt, %jit3A_10, %sign3A_17 : i32
    %sign3A_19 = arith.extui %sign3A_18 : i1 to i32
    %sign3A_20 = arith.constant 0 : i32
    %sign3A_21 = arith.cmpi slt, %jit3A_10, %sign3A_20 : i32
    %sign3A_22 = arith.extui %sign3A_21 : i1 to i32
    %sign3A_23 = arith.subi %sign3A_19, %sign3A_22 : i32
    %ne3A_24 = arith.cmpi ne, %sign3A_16, %sign3A_23 : i32
    %rem3A_25 = arith.remsi %add3A, %jit3A_10 : i32
    %ne3A_26 = arith.constant 0 : i32
    %ne3A_27 = arith.cmpi ne, %rem3A_25, %ne3A_26 : i32
    %and3A_28 = arith.andi %ne3A_24, %ne3A_27 : i1
    %sub3A = arith.constant 1 : i32
    %sub3A_29 = arith.subi %div3A, %sub3A : i32
    %select_n3A_30 = arith.select %and3A_28, %sub3A_29, %div3A : i32
    %mul3A_31 = arith.constant 8192 : i32
    %mul3A_32 = arith.muli %select_n3A_9, %mul3A_31 : i32
    "tpu.region"() ({
      %run_scoped3A = tpu.sem_alloc : memref<!tpu.dma_semaphore, #tpu.memory_space<semaphore_mem>>
      %dma_start3A_303 = tpu.memref_slice %arg3[%mul3A_32] : memref<131072xi32, #tpu.memory_space<hbm>> -> memref<8192xi32, #tpu.memory_space<hbm>>
      %dma_start3A_304 = tpu.memref_slice %arg3[%mul3A_32] : memref<131072xi32, #tpu.memory_space<hbm>> -> memref<8192xi32, #tpu.memory_space<hbm>>
      tpu.enqueue_dma source(%dma_start3A_304 : memref<8192xi32, #tpu.memory_space<hbm>>) target(%arg5 : memref<8192xi32, #tpu.memory_space<vmem>>) target_semaphore(%run_scoped3A : memref<!tpu.dma_semaphore, #tpu.memory_space<semaphore_mem>>)
      %dma_wait3A_305 = tpu.memref_slice %arg3[%mul3A_32] : memref<131072xi32, #tpu.memory_space<hbm>> -> memref<8192xi32, #tpu.memory_space<hbm>>
      %dma_wait3A_306 = tpu.memref_slice %arg3[%mul3A_32] : memref<131072xi32, #tpu.memory_space<hbm>> -> memref<8192xi32, #tpu.memory_space<hbm>>
      tpu.wait_dma2 semaphore(%run_scoped3A : memref<!tpu.dma_semaphore, #tpu.memory_space<semaphore_mem>>) src(%dma_wait3A_306 : memref<8192xi32, #tpu.memory_space<hbm>>) dst(%arg5 : memref<8192xi32, #tpu.memory_space<vmem>>)
      tpu.yield
    }) : () -> ()
    %min3A = arith.constant 0 : i32
    %min3A_33 = arith.constant 191 : i32
    %min3A_34 = arith.minsi %min3A, %min3A_33 : i32
    %mul3A_35 = arith.constant 2 : i32
    %mul3A_36 = arith.muli %min3A_34, %mul3A_35 : i32
    %add3A_37 = arith.addi %mul3A_36, %select_n3A_30 : i32
    %mul3A_38 = arith.constant 16 : i32
    %mul3A_39 = arith.muli %add3A_37, %mul3A_38 : i32
    %add3A_40 = arith.constant 0 : i32
    %add3A_41 = arith.addi %mul3A_39, %add3A_40 : i32
    %mul3A_42 = arith.constant 16 : i32
    %mul3A_43 = arith.muli %add3A_41, %mul3A_42 : i32
    %add3A_44 = arith.addi %mul3A_43, %select_n3A_9 : i32
    %mul3A_45 = arith.constant 1120 : i32
    %mul3A_46 = arith.muli %add3A_44, %mul3A_45 : i32
    %dma_start3A = arith.constant 0 : i32
    %dma_start3A_47 = tpu.memref_slice %arg6[%dma_start3A] : memref<17920xf32, #tpu.memory_space<vmem>> -> memref<1120xf32, #tpu.memory_space<vmem>>
    %dma_start3A_48 = tpu.memref_slice %arg2[%mul3A_46] : memref<110100480xf32, #tpu.memory_space<hbm>> -> memref<1120xf32, #tpu.memory_space<hbm>>
    %dma_start3A_49 = arith.constant 0 : i32
    %dma_start3A_50 = tpu.memref_slice %arg6[%dma_start3A_49] : memref<17920xf32, #tpu.memory_space<vmem>> -> memref<1120xf32, #tpu.memory_space<vmem>>
    %dma_start3A_51 = tpu.memref_slice %arg2[%mul3A_46] : memref<110100480xf32, #tpu.memory_space<hbm>> -> memref<1120xf32, #tpu.memory_space<hbm>>
    tpu.enqueue_dma source(%dma_start3A_51 : memref<1120xf32, #tpu.memory_space<hbm>>) target(%dma_start3A_50 : memref<1120xf32, #tpu.memory_space<vmem>>) target_semaphore(%arg10 : memref<!tpu.dma_semaphore, #tpu.memory_space<semaphore_mem>>)
    %mul3A_52 = arith.constant 16 : i32
    %mul3A_53 = arith.muli %add3A_37, %mul3A_52 : i32
    %add3A_54 = arith.constant 1 : i32
    %add3A_55 = arith.addi %mul3A_53, %add3A_54 : i32
    %mul3A_56 = arith.constant 16 : i32
    %mul3A_57 = arith.muli %add3A_55, %mul3A_56 : i32
    %add3A_58 = arith.addi %mul3A_57, %select_n3A_9 : i32
    %mul3A_59 = arith.constant 1120 : i32
    %mul3A_60 = arith.muli %add3A_58, %mul3A_59 : i32
    %dma_start3A_61 = arith.constant 1120 : i32
    %dma_start3A_62 = tpu.memref_slice %arg6[%dma_start3A_61] : memref<17920xf32, #tpu.memory_space<vmem>> -> memref<1120xf32, #tpu.memory_space<vmem>>
    %dma_start3A_63 = tpu.memref_slice %arg2[%mul3A_60] : memref<110100480xf32, #tpu.memory_space<hbm>> -> memref<1120xf32, #tpu.memory_space<hbm>>
    %dma_start3A_64 = arith.constant 1120 : i32
    %dma_start3A_65 = tpu.memref_slice %arg6[%dma_start3A_64] : memref<17920xf32, #tpu.memory_space<vmem>> -> memref<1120xf32, #tpu.memory_space<vmem>>
    %dma_start3A_66 = tpu.memref_slice %arg2[%mul3A_60] : memref<110100480xf32, #tpu.memory_space<hbm>> -> memref<1120xf32, #tpu.memory_space<hbm>>
    tpu.enqueue_dma source(%dma_start3A_66 : memref<1120xf32, #tpu.memory_space<hbm>>) target(%dma_start3A_65 : memref<1120xf32, #tpu.memory_space<vmem>>) target_semaphore(%arg10 : memref<!tpu.dma_semaphore, #tpu.memory_space<semaphore_mem>>)
    %mul3A_67 = arith.constant 16 : i32
    %mul3A_68 = arith.muli %add3A_37, %mul3A_67 : i32
    %add3A_69 = arith.constant 2 : i32
    %add3A_70 = arith.addi %mul3A_68, %add3A_69 : i32
    %mul3A_71 = arith.constant 16 : i32
    %mul3A_72 = arith.muli %add3A_70, %mul3A_71 : i32
    %add3A_73 = arith.addi %mul3A_72, %select_n3A_9 : i32
    %mul3A_74 = arith.constant 1120 : i32
    %mul3A_75 = arith.muli %add3A_73, %mul3A_74 : i32
    %dma_start3A_76 = arith.constant 2240 : i32
    %dma_start3A_77 = tpu.memref_slice %arg6[%dma_start3A_76] : memref<17920xf32, #tpu.memory_space<vmem>> -> memref<1120xf32, #tpu.memory_space<vmem>>
    %dma_start3A_78 = tpu.memref_slice %arg2[%mul3A_75] : memref<110100480xf32, #tpu.memory_space<hbm>> -> memref<1120xf32, #tpu.memory_space<hbm>>
    %dma_start3A_79 = arith.constant 2240 : i32
    %dma_start3A_80 = tpu.memref_slice %arg6[%dma_start3A_79] : memref<17920xf32, #tpu.memory_space<vmem>> -> memref<1120xf32, #tpu.memory_space<vmem>>
    %dma_start3A_81 = tpu.memref_slice %arg2[%mul3A_75] : memref<110100480xf32, #tpu.memory_space<hbm>> -> memref<1120xf32, #tpu.memory_space<hbm>>
    tpu.enqueue_dma source(%dma_start3A_81 : memref<1120xf32, #tpu.memory_space<hbm>>) target(%dma_start3A_80 : memref<1120xf32, #tpu.memory_space<vmem>>) target_semaphore(%arg10 : memref<!tpu.dma_semaphore, #tpu.memory_space<semaphore_mem>>)
    %mul3A_82 = arith.constant 16 : i32
    %mul3A_83 = arith.muli %add3A_37, %mul3A_82 : i32
    %add3A_84 = arith.constant 3 : i32
    %add3A_85 = arith.addi %mul3A_83, %add3A_84 : i32
    %mul3A_86 = arith.constant 16 : i32
    %mul3A_87 = arith.muli %add3A_85, %mul3A_86 : i32
    %add3A_88 = arith.addi %mul3A_87, %select_n3A_9 : i32
    %mul3A_89 = arith.constant 1120 : i32
    %mul3A_90 = arith.muli %add3A_88, %mul3A_89 : i32
    %dma_start3A_91 = arith.constant 3360 : i32
    %dma_start3A_92 = tpu.memref_slice %arg6[%dma_start3A_91] : memref<17920xf32, #tpu.memory_space<vmem>> -> memref<1120xf32, #tpu.memory_space<vmem>>
    %dma_start3A_93 = tpu.memref_slice %arg2[%mul3A_90] : memref<110100480xf32, #tpu.memory_space<hbm>> -> memref<1120xf32, #tpu.memory_space<hbm>>
    %dma_start3A_94 = arith.constant 3360 : i32
    %dma_start3A_95 = tpu.memref_slice %arg6[%dma_start3A_94] : memref<17920xf32, #tpu.memory_space<vmem>> -> memref<1120xf32, #tpu.memory_space<vmem>>
    %dma_start3A_96 = tpu.memref_slice %arg2[%mul3A_90] : memref<110100480xf32, #tpu.memory_space<hbm>> -> memref<1120xf32, #tpu.memory_space<hbm>>
    tpu.enqueue_dma source(%dma_start3A_96 : memref<1120xf32, #tpu.memory_space<hbm>>) target(%dma_start3A_95 : memref<1120xf32, #tpu.memory_space<vmem>>) target_semaphore(%arg10 : memref<!tpu.dma_semaphore, #tpu.memory_space<semaphore_mem>>)
    %mul3A_97 = arith.constant 16 : i32
    %mul3A_98 = arith.muli %add3A_37, %mul3A_97 : i32
    %add3A_99 = arith.constant 4 : i32
    %add3A_100 = arith.addi %mul3A_98, %add3A_99 : i32
    %mul3A_101 = arith.constant 16 : i32
    %mul3A_102 = arith.muli %add3A_100, %mul3A_101 : i32
    %add3A_103 = arith.addi %mul3A_102, %select_n3A_9 : i32
    %mul3A_104 = arith.constant 1120 : i32
    %mul3A_105 = arith.muli %add3A_103, %mul3A_104 : i32
    %dma_start3A_106 = arith.constant 4480 : i32
    %dma_start3A_107 = tpu.memref_slice %arg6[%dma_start3A_106] : memref<17920xf32, #tpu.memory_space<vmem>> -> memref<1120xf32, #tpu.memory_space<vmem>>
    %dma_start3A_108 = tpu.memref_slice %arg2[%mul3A_105] : memref<110100480xf32, #tpu.memory_space<hbm>> -> memref<1120xf32, #tpu.memory_space<hbm>>
    %dma_start3A_109 = arith.constant 4480 : i32
    %dma_start3A_110 = tpu.memref_slice %arg6[%dma_start3A_109] : memref<17920xf32, #tpu.memory_space<vmem>> -> memref<1120xf32, #tpu.memory_space<vmem>>
    %dma_start3A_111 = tpu.memref_slice %arg2[%mul3A_105] : memref<110100480xf32, #tpu.memory_space<hbm>> -> memref<1120xf32, #tpu.memory_space<hbm>>
    tpu.enqueue_dma source(%dma_start3A_111 : memref<1120xf32, #tpu.memory_space<hbm>>) target(%dma_start3A_110 : memref<1120xf32, #tpu.memory_space<vmem>>) target_semaphore(%arg10 : memref<!tpu.dma_semaphore, #tpu.memory_space<semaphore_mem>>)
    %mul3A_112 = arith.constant 16 : i32
    %mul3A_113 = arith.muli %add3A_37, %mul3A_112 : i32
    %add3A_114 = arith.constant 5 : i32
    %add3A_115 = arith.addi %mul3A_113, %add3A_114 : i32
    %mul3A_116 = arith.constant 16 : i32
    %mul3A_117 = arith.muli %add3A_115, %mul3A_116 : i32
    %add3A_118 = arith.addi %mul3A_117, %select_n3A_9 : i32
    %mul3A_119 = arith.constant 1120 : i32
    %mul3A_120 = arith.muli %add3A_118, %mul3A_119 : i32
    %dma_start3A_121 = arith.constant 5600 : i32
    %dma_start3A_122 = tpu.memref_slice %arg6[%dma_start3A_121] : memref<17920xf32, #tpu.memory_space<vmem>> -> memref<1120xf32, #tpu.memory_space<vmem>>
    %dma_start3A_123 = tpu.memref_slice %arg2[%mul3A_120] : memref<110100480xf32, #tpu.memory_space<hbm>> -> memref<1120xf32, #tpu.memory_space<hbm>>
    %dma_start3A_124 = arith.constant 5600 : i32
    %dma_start3A_125 = tpu.memref_slice %arg6[%dma_start3A_124] : memref<17920xf32, #tpu.memory_space<vmem>> -> memref<1120xf32, #tpu.memory_space<vmem>>
    %dma_start3A_126 = tpu.memref_slice %arg2[%mul3A_120] : memref<110100480xf32, #tpu.memory_space<hbm>> -> memref<1120xf32, #tpu.memory_space<hbm>>
    tpu.enqueue_dma source(%dma_start3A_126 : memref<1120xf32, #tpu.memory_space<hbm>>) target(%dma_start3A_125 : memref<1120xf32, #tpu.memory_space<vmem>>) target_semaphore(%arg10 : memref<!tpu.dma_semaphore, #tpu.memory_space<semaphore_mem>>)
    %mul3A_127 = arith.constant 16 : i32
    %mul3A_128 = arith.muli %add3A_37, %mul3A_127 : i32
    %add3A_129 = arith.constant 6 : i32
    %add3A_130 = arith.addi %mul3A_128, %add3A_129 : i32
    %mul3A_131 = arith.constant 16 : i32
    %mul3A_132 = arith.muli %add3A_130, %mul3A_131 : i32
    %add3A_133 = arith.addi %mul3A_132, %select_n3A_9 : i32
    %mul3A_134 = arith.constant 1120 : i32
    %mul3A_135 = arith.muli %add3A_133, %mul3A_134 : i32
    %dma_start3A_136 = arith.constant 6720 : i32
    %dma_start3A_137 = tpu.memref_slice %arg6[%dma_start3A_136] : memref<17920xf32, #tpu.memory_space<vmem>> -> memref<1120xf32, #tpu.memory_space<vmem>>
    %dma_start3A_138 = tpu.memref_slice %arg2[%mul3A_135] : memref<110100480xf32, #tpu.memory_space<hbm>> -> memref<1120xf32, #tpu.memory_space<hbm>>
    %dma_start3A_139 = arith.constant 6720 : i32
    %dma_start3A_140 = tpu.memref_slice %arg6[%dma_start3A_139] : memref<17920xf32, #tpu.memory_space<vmem>> -> memref<1120xf32, #tpu.memory_space<vmem>>
    %dma_start3A_141 = tpu.memref_slice %arg2[%mul3A_135] : memref<110100480xf32, #tpu.memory_space<hbm>> -> memref<1120xf32, #tpu.memory_space<hbm>>
    tpu.enqueue_dma source(%dma_start3A_141 : memref<1120xf32, #tpu.memory_space<hbm>>) target(%dma_start3A_140 : memref<1120xf32, #tpu.memory_space<vmem>>) target_semaphore(%arg10 : memref<!tpu.dma_semaphore, #tpu.memory_space<semaphore_mem>>)
    %mul3A_142 = arith.constant 16 : i32
    %mul3A_143 = arith.muli %add3A_37, %mul3A_142 : i32
    %add3A_144 = arith.constant 7 : i32
    %add3A_145 = arith.addi %mul3A_143, %add3A_144 : i32
    %mul3A_146 = arith.constant 16 : i32
    %mul3A_147 = arith.muli %add3A_145, %mul3A_146 : i32
    %add3A_148 = arith.addi %mul3A_147, %select_n3A_9 : i32
    %mul3A_149 = arith.constant 1120 : i32
    %mul3A_150 = arith.muli %add3A_148, %mul3A_149 : i32
    %dma_start3A_151 = arith.constant 7840 : i32
    %dma_start3A_152 = tpu.memref_slice %arg6[%dma_start3A_151] : memref<17920xf32, #tpu.memory_space<vmem>> -> memref<1120xf32, #tpu.memory_space<vmem>>
    %dma_start3A_153 = tpu.memref_slice %arg2[%mul3A_150] : memref<110100480xf32, #tpu.memory_space<hbm>> -> memref<1120xf32, #tpu.memory_space<hbm>>
    %dma_start3A_154 = arith.constant 7840 : i32
    %dma_start3A_155 = tpu.memref_slice %arg6[%dma_start3A_154] : memref<17920xf32, #tpu.memory_space<vmem>> -> memref<1120xf32, #tpu.memory_space<vmem>>
    %dma_start3A_156 = tpu.memref_slice %arg2[%mul3A_150] : memref<110100480xf32, #tpu.memory_space<hbm>> -> memref<1120xf32, #tpu.memory_space<hbm>>
    tpu.enqueue_dma source(%dma_start3A_156 : memref<1120xf32, #tpu.memory_space<hbm>>) target(%dma_start3A_155 : memref<1120xf32, #tpu.memory_space<vmem>>) target_semaphore(%arg10 : memref<!tpu.dma_semaphore, #tpu.memory_space<semaphore_mem>>)
    %mul3A_157 = arith.constant 16 : i32
    %mul3A_158 = arith.muli %add3A_37, %mul3A_157 : i32
    %add3A_159 = arith.constant 8 : i32
    %add3A_160 = arith.addi %mul3A_158, %add3A_159 : i32
    %mul3A_161 = arith.constant 16 : i32
    %mul3A_162 = arith.muli %add3A_160, %mul3A_161 : i32
    %add3A_163 = arith.addi %mul3A_162, %select_n3A_9 : i32
    %mul3A_164 = arith.constant 1120 : i32
    %mul3A_165 = arith.muli %add3A_163, %mul3A_164 : i32
    %dma_start3A_166 = arith.constant 8960 : i32
    %dma_start3A_167 = tpu.memref_slice %arg6[%dma_start3A_166] : memref<17920xf32, #tpu.memory_space<vmem>> -> memref<1120xf32, #tpu.memory_space<vmem>>
    %dma_start3A_168 = tpu.memref_slice %arg2[%mul3A_165] : memref<110100480xf32, #tpu.memory_space<hbm>> -> memref<1120xf32, #tpu.memory_space<hbm>>
    %dma_start3A_169 = arith.constant 8960 : i32
    %dma_start3A_170 = tpu.memref_slice %arg6[%dma_start3A_169] : memref<17920xf32, #tpu.memory_space<vmem>> -> memref<1120xf32, #tpu.memory_space<vmem>>
    %dma_start3A_171 = tpu.memref_slice %arg2[%mul3A_165] : memref<110100480xf32, #tpu.memory_space<hbm>> -> memref<1120xf32, #tpu.memory_space<hbm>>
    tpu.enqueue_dma source(%dma_start3A_171 : memref<1120xf32, #tpu.memory_space<hbm>>) target(%dma_start3A_170 : memref<1120xf32, #tpu.memory_space<vmem>>) target_semaphore(%arg10 : memref<!tpu.dma_semaphore, #tpu.memory_space<semaphore_mem>>)
    %mul3A_172 = arith.constant 16 : i32
    %mul3A_173 = arith.muli %add3A_37, %mul3A_172 : i32
    %add3A_174 = arith.constant 9 : i32
    %add3A_175 = arith.addi %mul3A_173, %add3A_174 : i32
    %mul3A_176 = arith.constant 16 : i32
    %mul3A_177 = arith.muli %add3A_175, %mul3A_176 : i32
    %add3A_178 = arith.addi %mul3A_177, %select_n3A_9 : i32
    %mul3A_179 = arith.constant 1120 : i32
    %mul3A_180 = arith.muli %add3A_178, %mul3A_179 : i32
    %dma_start3A_181 = arith.constant 10080 : i32
    %dma_start3A_182 = tpu.memref_slice %arg6[%dma_start3A_181] : memref<17920xf32, #tpu.memory_space<vmem>> -> memref<1120xf32, #tpu.memory_space<vmem>>
    %dma_start3A_183 = tpu.memref_slice %arg2[%mul3A_180] : memref<110100480xf32, #tpu.memory_space<hbm>> -> memref<1120xf32, #tpu.memory_space<hbm>>
    %dma_start3A_184 = arith.constant 10080 : i32
    %dma_start3A_185 = tpu.memref_slice %arg6[%dma_start3A_184] : memref<17920xf32, #tpu.memory_space<vmem>> -> memref<1120xf32, #tpu.memory_space<vmem>>
    %dma_start3A_186 = tpu.memref_slice %arg2[%mul3A_180] : memref<110100480xf32, #tpu.memory_space<hbm>> -> memref<1120xf32, #tpu.memory_space<hbm>>
    tpu.enqueue_dma source(%dma_start3A_186 : memref<1120xf32, #tpu.memory_space<hbm>>) target(%dma_start3A_185 : memref<1120xf32, #tpu.memory_space<vmem>>) target_semaphore(%arg10 : memref<!tpu.dma_semaphore, #tpu.memory_space<semaphore_mem>>)
    %mul3A_187 = arith.constant 16 : i32
    %mul3A_188 = arith.muli %add3A_37, %mul3A_187 : i32
    %add3A_189 = arith.constant 10 : i32
    %add3A_190 = arith.addi %mul3A_188, %add3A_189 : i32
    %mul3A_191 = arith.constant 16 : i32
    %mul3A_192 = arith.muli %add3A_190, %mul3A_191 : i32
    %add3A_193 = arith.addi %mul3A_192, %select_n3A_9 : i32
    %mul3A_194 = arith.constant 1120 : i32
    %mul3A_195 = arith.muli %add3A_193, %mul3A_194 : i32
    %dma_start3A_196 = arith.constant 11200 : i32
    %dma_start3A_197 = tpu.memref_slice %arg6[%dma_start3A_196] : memref<17920xf32, #tpu.memory_space<vmem>> -> memref<1120xf32, #tpu.memory_space<vmem>>
    %dma_start3A_198 = tpu.memref_slice %arg2[%mul3A_195] : memref<110100480xf32, #tpu.memory_space<hbm>> -> memref<1120xf32, #tpu.memory_space<hbm>>
    %dma_start3A_199 = arith.constant 11200 : i32
    %dma_start3A_200 = tpu.memref_slice %arg6[%dma_start3A_199] : memref<17920xf32, #tpu.memory_space<vmem>> -> memref<1120xf32, #tpu.memory_space<vmem>>
    %dma_start3A_201 = tpu.memref_slice %arg2[%mul3A_195] : memref<110100480xf32, #tpu.memory_space<hbm>> -> memref<1120xf32, #tpu.memory_space<hbm>>
    tpu.enqueue_dma source(%dma_start3A_201 : memref<1120xf32, #tpu.memory_space<hbm>>) target(%dma_start3A_200 : memref<1120xf32, #tpu.memory_space<vmem>>) target_semaphore(%arg10 : memref<!tpu.dma_semaphore, #tpu.memory_space<semaphore_mem>>)
    %mul3A_202 = arith.constant 16 : i32
    %mul3A_203 = arith.muli %add3A_37, %mul3A_202 : i32
    %add3A_204 = arith.constant 11 : i32
    %add3A_205 = arith.addi %mul3A_203, %add3A_204 : i32
    %mul3A_206 = arith.constant 16 : i32
    %mul3A_207 = arith.muli %add3A_205, %mul3A_206 : i32
    %add3A_208 = arith.addi %mul3A_207, %select_n3A_9 : i32
    %mul3A_209 = arith.constant 1120 : i32
    %mul3A_210 = arith.muli %add3A_208, %mul3A_209 : i32
    %dma_start3A_211 = arith.constant 12320 : i32
    %dma_start3A_212 = tpu.memref_slice %arg6[%dma_start3A_211] : memref<17920xf32, #tpu.memory_space<vmem>> -> memref<1120xf32, #tpu.memory_space<vmem>>
    %dma_start3A_213 = tpu.memref_slice %arg2[%mul3A_210] : memref<110100480xf32, #tpu.memory_space<hbm>> -> memref<1120xf32, #tpu.memory_space<hbm>>
    %dma_start3A_214 = arith.constant 12320 : i32
    %dma_start3A_215 = tpu.memref_slice %arg6[%dma_start3A_214] : memref<17920xf32, #tpu.memory_space<vmem>> -> memref<1120xf32, #tpu.memory_space<vmem>>
    %dma_start3A_216 = tpu.memref_slice %arg2[%mul3A_210] : memref<110100480xf32, #tpu.memory_space<hbm>> -> memref<1120xf32, #tpu.memory_space<hbm>>
    tpu.enqueue_dma source(%dma_start3A_216 : memref<1120xf32, #tpu.memory_space<hbm>>) target(%dma_start3A_215 : memref<1120xf32, #tpu.memory_space<vmem>>) target_semaphore(%arg10 : memref<!tpu.dma_semaphore, #tpu.memory_space<semaphore_mem>>)
    %mul3A_217 = arith.constant 16 : i32
    %mul3A_218 = arith.muli %add3A_37, %mul3A_217 : i32
    %add3A_219 = arith.constant 12 : i32
    %add3A_220 = arith.addi %mul3A_218, %add3A_219 : i32
    %mul3A_221 = arith.constant 16 : i32
    %mul3A_222 = arith.muli %add3A_220, %mul3A_221 : i32
    %add3A_223 = arith.addi %mul3A_222, %select_n3A_9 : i32
    %mul3A_224 = arith.constant 1120 : i32
    %mul3A_225 = arith.muli %add3A_223, %mul3A_224 : i32
    %dma_start3A_226 = arith.constant 13440 : i32
    %dma_start3A_227 = tpu.memref_slice %arg6[%dma_start3A_226] : memref<17920xf32, #tpu.memory_space<vmem>> -> memref<1120xf32, #tpu.memory_space<vmem>>
    %dma_start3A_228 = tpu.memref_slice %arg2[%mul3A_225] : memref<110100480xf32, #tpu.memory_space<hbm>> -> memref<1120xf32, #tpu.memory_space<hbm>>
    %dma_start3A_229 = arith.constant 13440 : i32
    %dma_start3A_230 = tpu.memref_slice %arg6[%dma_start3A_229] : memref<17920xf32, #tpu.memory_space<vmem>> -> memref<1120xf32, #tpu.memory_space<vmem>>
    %dma_start3A_231 = tpu.memref_slice %arg2[%mul3A_225] : memref<110100480xf32, #tpu.memory_space<hbm>> -> memref<1120xf32, #tpu.memory_space<hbm>>
    tpu.enqueue_dma source(%dma_start3A_231 : memref<1120xf32, #tpu.memory_space<hbm>>) target(%dma_start3A_230 : memref<1120xf32, #tpu.memory_space<vmem>>) target_semaphore(%arg10 : memref<!tpu.dma_semaphore, #tpu.memory_space<semaphore_mem>>)
    %mul3A_232 = arith.constant 16 : i32
    %mul3A_233 = arith.muli %add3A_37, %mul3A_232 : i32
    %add3A_234 = arith.constant 13 : i32
    %add3A_235 = arith.addi %mul3A_233, %add3A_234 : i32
    %mul3A_236 = arith.constant 16 : i32
    %mul3A_237 = arith.muli %add3A_235, %mul3A_236 : i32
    %add3A_238 = arith.addi %mul3A_237, %select_n3A_9 : i32
    %mul3A_239 = arith.constant 1120 : i32
    %mul3A_240 = arith.muli %add3A_238, %mul3A_239 : i32
    %dma_start3A_241 = arith.constant 14560 : i32
    %dma_start3A_242 = tpu.memref_slice %arg6[%dma_start3A_241] : memref<17920xf32, #tpu.memory_space<vmem>> -> memref<1120xf32, #tpu.memory_space<vmem>>
    %dma_start3A_243 = tpu.memref_slice %arg2[%mul3A_240] : memref<110100480xf32, #tpu.memory_space<hbm>> -> memref<1120xf32, #tpu.memory_space<hbm>>
    %dma_start3A_244 = arith.constant 14560 : i32
    %dma_start3A_245 = tpu.memref_slice %arg6[%dma_start3A_244] : memref<17920xf32, #tpu.memory_space<vmem>> -> memref<1120xf32, #tpu.memory_space<vmem>>
    %dma_start3A_246 = tpu.memref_slice %arg2[%mul3A_240] : memref<110100480xf32, #tpu.memory_space<hbm>> -> memref<1120xf32, #tpu.memory_space<hbm>>
    tpu.enqueue_dma source(%dma_start3A_246 : memref<1120xf32, #tpu.memory_space<hbm>>) target(%dma_start3A_245 : memref<1120xf32, #tpu.memory_space<vmem>>) target_semaphore(%arg10 : memref<!tpu.dma_semaphore, #tpu.memory_space<semaphore_mem>>)
    %mul3A_247 = arith.constant 16 : i32
    %mul3A_248 = arith.muli %add3A_37, %mul3A_247 : i32
    %add3A_249 = arith.constant 14 : i32
    %add3A_250 = arith.addi %mul3A_248, %add3A_249 : i32
    %mul3A_251 = arith.constant 16 : i32
    %mul3A_252 = arith.muli %add3A_250, %mul3A_251 : i32
    %add3A_253 = arith.addi %mul3A_252, %select_n3A_9 : i32
    %mul3A_254 = arith.constant 1120 : i32
    %mul3A_255 = arith.muli %add3A_253, %mul3A_254 : i32
    %dma_start3A_256 = arith.constant 15680 : i32
    %dma_start3A_257 = tpu.memref_slice %arg6[%dma_start3A_256] : memref<17920xf32, #tpu.memory_space<vmem>> -> memref<1120xf32, #tpu.memory_space<vmem>>
    %dma_start3A_258 = tpu.memref_slice %arg2[%mul3A_255] : memref<110100480xf32, #tpu.memory_space<hbm>> -> memref<1120xf32, #tpu.memory_space<hbm>>
    %dma_start3A_259 = arith.constant 15680 : i32
    %dma_start3A_260 = tpu.memref_slice %arg6[%dma_start3A_259] : memref<17920xf32, #tpu.memory_space<vmem>> -> memref<1120xf32, #tpu.memory_space<vmem>>
    %dma_start3A_261 = tpu.memref_slice %arg2[%mul3A_255] : memref<110100480xf32, #tpu.memory_space<hbm>> -> memref<1120xf32, #tpu.memory_space<hbm>>
    tpu.enqueue_dma source(%dma_start3A_261 : memref<1120xf32, #tpu.memory_space<hbm>>) target(%dma_start3A_260 : memref<1120xf32, #tpu.memory_space<vmem>>) target_semaphore(%arg10 : memref<!tpu.dma_semaphore, #tpu.memory_space<semaphore_mem>>)
    %mul3A_262 = arith.constant 16 : i32
    %mul3A_263 = arith.muli %add3A_37, %mul3A_262 : i32
    %add3A_264 = arith.constant 15 : i32
    %add3A_265 = arith.addi %mul3A_263, %add3A_264 : i32
    %mul3A_266 = arith.constant 16 : i32
    %mul3A_267 = arith.muli %add3A_265, %mul3A_266 : i32
    %add3A_268 = arith.addi %mul3A_267, %select_n3A_9 : i32
    %mul3A_269 = arith.constant 1120 : i32
    %mul3A_270 = arith.muli %add3A_268, %mul3A_269 : i32
    %dma_start3A_271 = arith.constant 16800 : i32
    %dma_start3A_272 = tpu.memref_slice %arg6[%dma_start3A_271] : memref<17920xf32, #tpu.memory_space<vmem>> -> memref<1120xf32, #tpu.memory_space<vmem>>
    %dma_start3A_273 = tpu.memref_slice %arg2[%mul3A_270] : memref<110100480xf32, #tpu.memory_space<hbm>> -> memref<1120xf32, #tpu.memory_space<hbm>>
    %dma_start3A_274 = arith.constant 16800 : i32
    %dma_start3A_275 = tpu.memref_slice %arg6[%dma_start3A_274] : memref<17920xf32, #tpu.memory_space<vmem>> -> memref<1120xf32, #tpu.memory_space<vmem>>
    %dma_start3A_276 = tpu.memref_slice %arg2[%mul3A_270] : memref<110100480xf32, #tpu.memory_space<hbm>> -> memref<1120xf32, #tpu.memory_space<hbm>>
    tpu.enqueue_dma source(%dma_start3A_276 : memref<1120xf32, #tpu.memory_space<hbm>>) target(%dma_start3A_275 : memref<1120xf32, #tpu.memory_space<vmem>>) target_semaphore(%arg10 : memref<!tpu.dma_semaphore, #tpu.memory_space<semaphore_mem>>)
    %scan3A = arith.constant 0 : i32
    %scan3A_277 = arith.constant 0 : i32
    %scan3A_278 = arith.constant 96 : i32
    %scan3A_279 = arith.addi %scan3A_277, %scan3A_278 : i32
    %scan3A_280 = arith.constant 1 : i32
    scf.for %scan3A_303 = %scan3A_277 to %scan3A_279 step %scan3A_280  : i32 {
      %mul3A_304 = arith.constant 2 : i32
      %mul3A_305 = arith.muli %scan3A_303, %mul3A_304 : i32
      %add3A_306 = arith.constant 0 : i32
      %add3A_307 = arith.addi %mul3A_305, %add3A_306 : i32
      %dma_wait3A_308 = arith.constant 0 : i32
      %dma_wait3A_309 = tpu.memref_slice %arg2[%dma_wait3A_308] : memref<110100480xf32, #tpu.memory_space<hbm>> -> memref<17920xf32, #tpu.memory_space<hbm>>
      %dma_wait3A_310 = arith.constant 0 : i32
      %dma_wait3A_311 = tpu.memref_slice %arg2[%dma_wait3A_310] : memref<110100480xf32, #tpu.memory_space<hbm>> -> memref<17920xf32, #tpu.memory_space<hbm>>
      tpu.wait_dma2 semaphore(%arg10 : memref<!tpu.dma_semaphore, #tpu.memory_space<semaphore_mem>>) src(%dma_wait3A_311 : memref<17920xf32, #tpu.memory_space<hbm>>) dst(%arg6 : memref<17920xf32, #tpu.memory_space<vmem>>)
      %add3A_312 = arith.constant 1 : i32
      %add3A_313 = arith.addi %add3A_307, %add3A_312 : i32
      %min3A_314 = arith.constant 191 : i32
      %min3A_315 = arith.minsi %add3A_313, %min3A_314 : i32
      %mul3A_316 = arith.constant 2 : i32
      %mul3A_317 = arith.muli %min3A_315, %mul3A_316 : i32
      %add3A_318 = arith.addi %mul3A_317, %select_n3A_30 : i32
      %mul3A_319 = arith.constant 16 : i32
      %mul3A_320 = arith.muli %add3A_318, %mul3A_319 : i32
      %add3A_321 = arith.constant 0 : i32
      %add3A_322 = arith.addi %mul3A_320, %add3A_321 : i32
      %mul3A_323 = arith.constant 16 : i32
      %mul3A_324 = arith.muli %add3A_322, %mul3A_323 : i32
      %add3A_325 = arith.addi %mul3A_324, %select_n3A_9 : i32
      %mul3A_326 = arith.constant 1120 : i32
      %mul3A_327 = arith.muli %add3A_325, %mul3A_326 : i32
      %dma_start3A_328 = arith.constant 0 : i32
      %dma_start3A_329 = tpu.memref_slice %arg7[%dma_start3A_328] : memref<17920xf32, #tpu.memory_space<vmem>> -> memref<1120xf32, #tpu.memory_space<vmem>>
      %dma_start3A_330 = tpu.memref_slice %arg2[%mul3A_327] : memref<110100480xf32, #tpu.memory_space<hbm>> -> memref<1120xf32, #tpu.memory_space<hbm>>
      %dma_start3A_331 = arith.constant 0 : i32
      %dma_start3A_332 = tpu.memref_slice %arg7[%dma_start3A_331] : memref<17920xf32, #tpu.memory_space<vmem>> -> memref<1120xf32, #tpu.memory_space<vmem>>
      %dma_start3A_333 = tpu.memref_slice %arg2[%mul3A_327] : memref<110100480xf32, #tpu.memory_space<hbm>> -> memref<1120xf32, #tpu.memory_space<hbm>>
      tpu.enqueue_dma source(%dma_start3A_333 : memref<1120xf32, #tpu.memory_space<hbm>>) target(%dma_start3A_332 : memref<1120xf32, #tpu.memory_space<vmem>>) target_semaphore(%arg11 : memref<!tpu.dma_semaphore, #tpu.memory_space<semaphore_mem>>)
      %mul3A_334 = arith.constant 16 : i32
      %mul3A_335 = arith.muli %add3A_318, %mul3A_334 : i32
      %add3A_336 = arith.constant 1 : i32
      %add3A_337 = arith.addi %mul3A_335, %add3A_336 : i32
      %mul3A_338 = arith.constant 16 : i32
      %mul3A_339 = arith.muli %add3A_337, %mul3A_338 : i32
      %add3A_340 = arith.addi %mul3A_339, %select_n3A_9 : i32
      %mul3A_341 = arith.constant 1120 : i32
      %mul3A_342 = arith.muli %add3A_340, %mul3A_341 : i32
      %dma_start3A_343 = arith.constant 1120 : i32
      %dma_start3A_344 = tpu.memref_slice %arg7[%dma_start3A_343] : memref<17920xf32, #tpu.memory_space<vmem>> -> memref<1120xf32, #tpu.memory_space<vmem>>
      %dma_start3A_345 = tpu.memref_slice %arg2[%mul3A_342] : memref<110100480xf32, #tpu.memory_space<hbm>> -> memref<1120xf32, #tpu.memory_space<hbm>>
      %dma_start3A_346 = arith.constant 1120 : i32
      %dma_start3A_347 = tpu.memref_slice %arg7[%dma_start3A_346] : memref<17920xf32, #tpu.memory_space<vmem>> -> memref<1120xf32, #tpu.memory_space<vmem>>
      %dma_start3A_348 = tpu.memref_slice %arg2[%mul3A_342] : memref<110100480xf32, #tpu.memory_space<hbm>> -> memref<1120xf32, #tpu.memory_space<hbm>>
      tpu.enqueue_dma source(%dma_start3A_348 : memref<1120xf32, #tpu.memory_space<hbm>>) target(%dma_start3A_347 : memref<1120xf32, #tpu.memory_space<vmem>>) target_semaphore(%arg11 : memref<!tpu.dma_semaphore, #tpu.memory_space<semaphore_mem>>)
      %mul3A_349 = arith.constant 16 : i32
      %mul3A_350 = arith.muli %add3A_318, %mul3A_349 : i32
      %add3A_351 = arith.constant 2 : i32
      %add3A_352 = arith.addi %mul3A_350, %add3A_351 : i32
      %mul3A_353 = arith.constant 16 : i32
      %mul3A_354 = arith.muli %add3A_352, %mul3A_353 : i32
      %add3A_355 = arith.addi %mul3A_354, %select_n3A_9 : i32
      %mul3A_356 = arith.constant 1120 : i32
      %mul3A_357 = arith.muli %add3A_355, %mul3A_356 : i32
      %dma_start3A_358 = arith.constant 2240 : i32
      %dma_start3A_359 = tpu.memref_slice %arg7[%dma_start3A_358] : memref<17920xf32, #tpu.memory_space<vmem>> -> memref<1120xf32, #tpu.memory_space<vmem>>
      %dma_start3A_360 = tpu.memref_slice %arg2[%mul3A_357] : memref<110100480xf32, #tpu.memory_space<hbm>> -> memref<1120xf32, #tpu.memory_space<hbm>>
      %dma_start3A_361 = arith.constant 2240 : i32
      %dma_start3A_362 = tpu.memref_slice %arg7[%dma_start3A_361] : memref<17920xf32, #tpu.memory_space<vmem>> -> memref<1120xf32, #tpu.memory_space<vmem>>
      %dma_start3A_363 = tpu.memref_slice %arg2[%mul3A_357] : memref<110100480xf32, #tpu.memory_space<hbm>> -> memref<1120xf32, #tpu.memory_space<hbm>>
      tpu.enqueue_dma source(%dma_start3A_363 : memref<1120xf32, #tpu.memory_space<hbm>>) target(%dma_start3A_362 : memref<1120xf32, #tpu.memory_space<vmem>>) target_semaphore(%arg11 : memref<!tpu.dma_semaphore, #tpu.memory_space<semaphore_mem>>)
      %mul3A_364 = arith.constant 16 : i32
      %mul3A_365 = arith.muli %add3A_318, %mul3A_364 : i32
      %add3A_366 = arith.constant 3 : i32
      %add3A_367 = arith.addi %mul3A_365, %add3A_366 : i32
      %mul3A_368 = arith.constant 16 : i32
      %mul3A_369 = arith.muli %add3A_367, %mul3A_368 : i32
      %add3A_370 = arith.addi %mul3A_369, %select_n3A_9 : i32
      %mul3A_371 = arith.constant 1120 : i32
      %mul3A_372 = arith.muli %add3A_370, %mul3A_371 : i32
      %dma_start3A_373 = arith.constant 3360 : i32
      %dma_start3A_374 = tpu.memref_slice %arg7[%dma_start3A_373] : memref<17920xf32, #tpu.memory_space<vmem>> -> memref<1120xf32, #tpu.memory_space<vmem>>
      %dma_start3A_375 = tpu.memref_slice %arg2[%mul3A_372] : memref<110100480xf32, #tpu.memory_space<hbm>> -> memref<1120xf32, #tpu.memory_space<hbm>>
      %dma_start3A_376 = arith.constant 3360 : i32
      %dma_start3A_377 = tpu.memref_slice %arg7[%dma_start3A_376] : memref<17920xf32, #tpu.memory_space<vmem>> -> memref<1120xf32, #tpu.memory_space<vmem>>
      %dma_start3A_378 = tpu.memref_slice %arg2[%mul3A_372] : memref<110100480xf32, #tpu.memory_space<hbm>> -> memref<1120xf32, #tpu.memory_space<hbm>>
      tpu.enqueue_dma source(%dma_start3A_378 : memref<1120xf32, #tpu.memory_space<hbm>>) target(%dma_start3A_377 : memref<1120xf32, #tpu.memory_space<vmem>>) target_semaphore(%arg11 : memref<!tpu.dma_semaphore, #tpu.memory_space<semaphore_mem>>)
      %mul3A_379 = arith.constant 16 : i32
      %mul3A_380 = arith.muli %add3A_318, %mul3A_379 : i32
      %add3A_381 = arith.constant 4 : i32
      %add3A_382 = arith.addi %mul3A_380, %add3A_381 : i32
      %mul3A_383 = arith.constant 16 : i32
      %mul3A_384 = arith.muli %add3A_382, %mul3A_383 : i32
      %add3A_385 = arith.addi %mul3A_384, %select_n3A_9 : i32
      %mul3A_386 = arith.constant 1120 : i32
      %mul3A_387 = arith.muli %add3A_385, %mul3A_386 : i32
      %dma_start3A_388 = arith.constant 4480 : i32
      %dma_start3A_389 = tpu.memref_slice %arg7[%dma_start3A_388] : memref<17920xf32, #tpu.memory_space<vmem>> -> memref<1120xf32, #tpu.memory_space<vmem>>
      %dma_start3A_390 = tpu.memref_slice %arg2[%mul3A_387] : memref<110100480xf32, #tpu.memory_space<hbm>> -> memref<1120xf32, #tpu.memory_space<hbm>>
      %dma_start3A_391 = arith.constant 4480 : i32
      %dma_start3A_392 = tpu.memref_slice %arg7[%dma_start3A_391] : memref<17920xf32, #tpu.memory_space<vmem>> -> memref<1120xf32, #tpu.memory_space<vmem>>
      %dma_start3A_393 = tpu.memref_slice %arg2[%mul3A_387] : memref<110100480xf32, #tpu.memory_space<hbm>> -> memref<1120xf32, #tpu.memory_space<hbm>>
      tpu.enqueue_dma source(%dma_start3A_393 : memref<1120xf32, #tpu.memory_space<hbm>>) target(%dma_start3A_392 : memref<1120xf32, #tpu.memory_space<vmem>>) target_semaphore(%arg11 : memref<!tpu.dma_semaphore, #tpu.memory_space<semaphore_mem>>)
      %mul3A_394 = arith.constant 16 : i32
      %mul3A_395 = arith.muli %add3A_318, %mul3A_394 : i32
      %add3A_396 = arith.constant 5 : i32
      %add3A_397 = arith.addi %mul3A_395, %add3A_396 : i32
      %mul3A_398 = arith.constant 16 : i32
      %mul3A_399 = arith.muli %add3A_397, %mul3A_398 : i32
      %add3A_400 = arith.addi %mul3A_399, %select_n3A_9 : i32
      %mul3A_401 = arith.constant 1120 : i32
      %mul3A_402 = arith.muli %add3A_400, %mul3A_401 : i32
      %dma_start3A_403 = arith.constant 5600 : i32
      %dma_start3A_404 = tpu.memref_slice %arg7[%dma_start3A_403] : memref<17920xf32, #tpu.memory_space<vmem>> -> memref<1120xf32, #tpu.memory_space<vmem>>
      %dma_start3A_405 = tpu.memref_slice %arg2[%mul3A_402] : memref<110100480xf32, #tpu.memory_space<hbm>> -> memref<1120xf32, #tpu.memory_space<hbm>>
      %dma_start3A_406 = arith.constant 5600 : i32
      %dma_start3A_407 = tpu.memref_slice %arg7[%dma_start3A_406] : memref<17920xf32, #tpu.memory_space<vmem>> -> memref<1120xf32, #tpu.memory_space<vmem>>
      %dma_start3A_408 = tpu.memref_slice %arg2[%mul3A_402] : memref<110100480xf32, #tpu.memory_space<hbm>> -> memref<1120xf32, #tpu.memory_space<hbm>>
      tpu.enqueue_dma source(%dma_start3A_408 : memref<1120xf32, #tpu.memory_space<hbm>>) target(%dma_start3A_407 : memref<1120xf32, #tpu.memory_space<vmem>>) target_semaphore(%arg11 : memref<!tpu.dma_semaphore, #tpu.memory_space<semaphore_mem>>)
      %mul3A_409 = arith.constant 16 : i32
      %mul3A_410 = arith.muli %add3A_318, %mul3A_409 : i32
      %add3A_411 = arith.constant 6 : i32
      %add3A_412 = arith.addi %mul3A_410, %add3A_411 : i32
      %mul3A_413 = arith.constant 16 : i32
      %mul3A_414 = arith.muli %add3A_412, %mul3A_413 : i32
      %add3A_415 = arith.addi %mul3A_414, %select_n3A_9 : i32
      %mul3A_416 = arith.constant 1120 : i32
      %mul3A_417 = arith.muli %add3A_415, %mul3A_416 : i32
      %dma_start3A_418 = arith.constant 6720 : i32
      %dma_start3A_419 = tpu.memref_slice %arg7[%dma_start3A_418] : memref<17920xf32, #tpu.memory_space<vmem>> -> memref<1120xf32, #tpu.memory_space<vmem>>
      %dma_start3A_420 = tpu.memref_slice %arg2[%mul3A_417] : memref<110100480xf32, #tpu.memory_space<hbm>> -> memref<1120xf32, #tpu.memory_space<hbm>>
      %dma_start3A_421 = arith.constant 6720 : i32
      %dma_start3A_422 = tpu.memref_slice %arg7[%dma_start3A_421] : memref<17920xf32, #tpu.memory_space<vmem>> -> memref<1120xf32, #tpu.memory_space<vmem>>
      %dma_start3A_423 = tpu.memref_slice %arg2[%mul3A_417] : memref<110100480xf32, #tpu.memory_space<hbm>> -> memref<1120xf32, #tpu.memory_space<hbm>>
      tpu.enqueue_dma source(%dma_start3A_423 : memref<1120xf32, #tpu.memory_space<hbm>>) target(%dma_start3A_422 : memref<1120xf32, #tpu.memory_space<vmem>>) target_semaphore(%arg11 : memref<!tpu.dma_semaphore, #tpu.memory_space<semaphore_mem>>)
      %mul3A_424 = arith.constant 16 : i32
      %mul3A_425 = arith.muli %add3A_318, %mul3A_424 : i32
      %add3A_426 = arith.constant 7 : i32
      %add3A_427 = arith.addi %mul3A_425, %add3A_426 : i32
      %mul3A_428 = arith.constant 16 : i32
      %mul3A_429 = arith.muli %add3A_427, %mul3A_428 : i32
      %add3A_430 = arith.addi %mul3A_429, %select_n3A_9 : i32
      %mul3A_431 = arith.constant 1120 : i32
      %mul3A_432 = arith.muli %add3A_430, %mul3A_431 : i32
      %dma_start3A_433 = arith.constant 7840 : i32
      %dma_start3A_434 = tpu.memref_slice %arg7[%dma_start3A_433] : memref<17920xf32, #tpu.memory_space<vmem>> -> memref<1120xf32, #tpu.memory_space<vmem>>
      %dma_start3A_435 = tpu.memref_slice %arg2[%mul3A_432] : memref<110100480xf32, #tpu.memory_space<hbm>> -> memref<1120xf32, #tpu.memory_space<hbm>>
      %dma_start3A_436 = arith.constant 7840 : i32
      %dma_start3A_437 = tpu.memref_slice %arg7[%dma_start3A_436] : memref<17920xf32, #tpu.memory_space<vmem>> -> memref<1120xf32, #tpu.memory_space<vmem>>
      %dma_start3A_438 = tpu.memref_slice %arg2[%mul3A_432] : memref<110100480xf32, #tpu.memory_space<hbm>> -> memref<1120xf32, #tpu.memory_space<hbm>>
      tpu.enqueue_dma source(%dma_start3A_438 : memref<1120xf32, #tpu.memory_space<hbm>>) target(%dma_start3A_437 : memref<1120xf32, #tpu.memory_space<vmem>>) target_semaphore(%arg11 : memref<!tpu.dma_semaphore, #tpu.memory_space<semaphore_mem>>)
      %mul3A_439 = arith.constant 16 : i32
      %mul3A_440 = arith.muli %add3A_318, %mul3A_439 : i32
      %add3A_441 = arith.constant 8 : i32
      %add3A_442 = arith.addi %mul3A_440, %add3A_441 : i32
      %mul3A_443 = arith.constant 16 : i32
      %mul3A_444 = arith.muli %add3A_442, %mul3A_443 : i32
      %add3A_445 = arith.addi %mul3A_444, %select_n3A_9 : i32
      %mul3A_446 = arith.constant 1120 : i32
      %mul3A_447 = arith.muli %add3A_445, %mul3A_446 : i32
      %dma_start3A_448 = arith.constant 8960 : i32
      %dma_start3A_449 = tpu.memref_slice %arg7[%dma_start3A_448] : memref<17920xf32, #tpu.memory_space<vmem>> -> memref<1120xf32, #tpu.memory_space<vmem>>
      %dma_start3A_450 = tpu.memref_slice %arg2[%mul3A_447] : memref<110100480xf32, #tpu.memory_space<hbm>> -> memref<1120xf32, #tpu.memory_space<hbm>>
      %dma_start3A_451 = arith.constant 8960 : i32
      %dma_start3A_452 = tpu.memref_slice %arg7[%dma_start3A_451] : memref<17920xf32, #tpu.memory_space<vmem>> -> memref<1120xf32, #tpu.memory_space<vmem>>
      %dma_start3A_453 = tpu.memref_slice %arg2[%mul3A_447] : memref<110100480xf32, #tpu.memory_space<hbm>> -> memref<1120xf32, #tpu.memory_space<hbm>>
      tpu.enqueue_dma source(%dma_start3A_453 : memref<1120xf32, #tpu.memory_space<hbm>>) target(%dma_start3A_452 : memref<1120xf32, #tpu.memory_space<vmem>>) target_semaphore(%arg11 : memref<!tpu.dma_semaphore, #tpu.memory_space<semaphore_mem>>)
      %mul3A_454 = arith.constant 16 : i32
      %mul3A_455 = arith.muli %add3A_318, %mul3A_454 : i32
      %add3A_456 = arith.constant 9 : i32
      %add3A_457 = arith.addi %mul3A_455, %add3A_456 : i32
      %mul3A_458 = arith.constant 16 : i32
      %mul3A_459 = arith.muli %add3A_457, %mul3A_458 : i32
      %add3A_460 = arith.addi %mul3A_459, %select_n3A_9 : i32
      %mul3A_461 = arith.constant 1120 : i32
      %mul3A_462 = arith.muli %add3A_460, %mul3A_461 : i32
      %dma_start3A_463 = arith.constant 10080 : i32
      %dma_start3A_464 = tpu.memref_slice %arg7[%dma_start3A_463] : memref<17920xf32, #tpu.memory_space<vmem>> -> memref<1120xf32, #tpu.memory_space<vmem>>
      %dma_start3A_465 = tpu.memref_slice %arg2[%mul3A_462] : memref<110100480xf32, #tpu.memory_space<hbm>> -> memref<1120xf32, #tpu.memory_space<hbm>>
      %dma_start3A_466 = arith.constant 10080 : i32
      %dma_start3A_467 = tpu.memref_slice %arg7[%dma_start3A_466] : memref<17920xf32, #tpu.memory_space<vmem>> -> memref<1120xf32, #tpu.memory_space<vmem>>
      %dma_start3A_468 = tpu.memref_slice %arg2[%mul3A_462] : memref<110100480xf32, #tpu.memory_space<hbm>> -> memref<1120xf32, #tpu.memory_space<hbm>>
      tpu.enqueue_dma source(%dma_start3A_468 : memref<1120xf32, #tpu.memory_space<hbm>>) target(%dma_start3A_467 : memref<1120xf32, #tpu.memory_space<vmem>>) target_semaphore(%arg11 : memref<!tpu.dma_semaphore, #tpu.memory_space<semaphore_mem>>)
      %mul3A_469 = arith.constant 16 : i32
      %mul3A_470 = arith.muli %add3A_318, %mul3A_469 : i32
      %add3A_471 = arith.constant 10 : i32
      %add3A_472 = arith.addi %mul3A_470, %add3A_471 : i32
      %mul3A_473 = arith.constant 16 : i32
      %mul3A_474 = arith.muli %add3A_472, %mul3A_473 : i32
      %add3A_475 = arith.addi %mul3A_474, %select_n3A_9 : i32
      %mul3A_476 = arith.constant 1120 : i32
      %mul3A_477 = arith.muli %add3A_475, %mul3A_476 : i32
      %dma_start3A_478 = arith.constant 11200 : i32
      %dma_start3A_479 = tpu.memref_slice %arg7[%dma_start3A_478] : memref<17920xf32, #tpu.memory_space<vmem>> -> memref<1120xf32, #tpu.memory_space<vmem>>
      %dma_start3A_480 = tpu.memref_slice %arg2[%mul3A_477] : memref<110100480xf32, #tpu.memory_space<hbm>> -> memref<1120xf32, #tpu.memory_space<hbm>>
      %dma_start3A_481 = arith.constant 11200 : i32
      %dma_start3A_482 = tpu.memref_slice %arg7[%dma_start3A_481] : memref<17920xf32, #tpu.memory_space<vmem>> -> memref<1120xf32, #tpu.memory_space<vmem>>
      %dma_start3A_483 = tpu.memref_slice %arg2[%mul3A_477] : memref<110100480xf32, #tpu.memory_space<hbm>> -> memref<1120xf32, #tpu.memory_space<hbm>>
      tpu.enqueue_dma source(%dma_start3A_483 : memref<1120xf32, #tpu.memory_space<hbm>>) target(%dma_start3A_482 : memref<1120xf32, #tpu.memory_space<vmem>>) target_semaphore(%arg11 : memref<!tpu.dma_semaphore, #tpu.memory_space<semaphore_mem>>)
      %mul3A_484 = arith.constant 16 : i32
      %mul3A_485 = arith.muli %add3A_318, %mul3A_484 : i32
      %add3A_486 = arith.constant 11 : i32
      %add3A_487 = arith.addi %mul3A_485, %add3A_486 : i32
      %mul3A_488 = arith.constant 16 : i32
      %mul3A_489 = arith.muli %add3A_487, %mul3A_488 : i32
      %add3A_490 = arith.addi %mul3A_489, %select_n3A_9 : i32
      %mul3A_491 = arith.constant 1120 : i32
      %mul3A_492 = arith.muli %add3A_490, %mul3A_491 : i32
      %dma_start3A_493 = arith.constant 12320 : i32
      %dma_start3A_494 = tpu.memref_slice %arg7[%dma_start3A_493] : memref<17920xf32, #tpu.memory_space<vmem>> -> memref<1120xf32, #tpu.memory_space<vmem>>
      %dma_start3A_495 = tpu.memref_slice %arg2[%mul3A_492] : memref<110100480xf32, #tpu.memory_space<hbm>> -> memref<1120xf32, #tpu.memory_space<hbm>>
      %dma_start3A_496 = arith.constant 12320 : i32
      %dma_start3A_497 = tpu.memref_slice %arg7[%dma_start3A_496] : memref<17920xf32, #tpu.memory_space<vmem>> -> memref<1120xf32, #tpu.memory_space<vmem>>
      %dma_start3A_498 = tpu.memref_slice %arg2[%mul3A_492] : memref<110100480xf32, #tpu.memory_space<hbm>> -> memref<1120xf32, #tpu.memory_space<hbm>>
      tpu.enqueue_dma source(%dma_start3A_498 : memref<1120xf32, #tpu.memory_space<hbm>>) target(%dma_start3A_497 : memref<1120xf32, #tpu.memory_space<vmem>>) target_semaphore(%arg11 : memref<!tpu.dma_semaphore, #tpu.memory_space<semaphore_mem>>)
      %mul3A_499 = arith.constant 16 : i32
      %mul3A_500 = arith.muli %add3A_318, %mul3A_499 : i32
      %add3A_501 = arith.constant 12 : i32
      %add3A_502 = arith.addi %mul3A_500, %add3A_501 : i32
      %mul3A_503 = arith.constant 16 : i32
      %mul3A_504 = arith.muli %add3A_502, %mul3A_503 : i32
      %add3A_505 = arith.addi %mul3A_504, %select_n3A_9 : i32
      %mul3A_506 = arith.constant 1120 : i32
      %mul3A_507 = arith.muli %add3A_505, %mul3A_506 : i32
      %dma_start3A_508 = arith.constant 13440 : i32
      %dma_start3A_509 = tpu.memref_slice %arg7[%dma_start3A_508] : memref<17920xf32, #tpu.memory_space<vmem>> -> memref<1120xf32, #tpu.memory_space<vmem>>
      %dma_start3A_510 = tpu.memref_slice %arg2[%mul3A_507] : memref<110100480xf32, #tpu.memory_space<hbm>> -> memref<1120xf32, #tpu.memory_space<hbm>>
      %dma_start3A_511 = arith.constant 13440 : i32
      %dma_start3A_512 = tpu.memref_slice %arg7[%dma_start3A_511] : memref<17920xf32, #tpu.memory_space<vmem>> -> memref<1120xf32, #tpu.memory_space<vmem>>
      %dma_start3A_513 = tpu.memref_slice %arg2[%mul3A_507] : memref<110100480xf32, #tpu.memory_space<hbm>> -> memref<1120xf32, #tpu.memory_space<hbm>>
      tpu.enqueue_dma source(%dma_start3A_513 : memref<1120xf32, #tpu.memory_space<hbm>>) target(%dma_start3A_512 : memref<1120xf32, #tpu.memory_space<vmem>>) target_semaphore(%arg11 : memref<!tpu.dma_semaphore, #tpu.memory_space<semaphore_mem>>)
      %mul3A_514 = arith.constant 16 : i32
      %mul3A_515 = arith.muli %add3A_318, %mul3A_514 : i32
      %add3A_516 = arith.constant 13 : i32
      %add3A_517 = arith.addi %mul3A_515, %add3A_516 : i32
      %mul3A_518 = arith.constant 16 : i32
      %mul3A_519 = arith.muli %add3A_517, %mul3A_518 : i32
      %add3A_520 = arith.addi %mul3A_519, %select_n3A_9 : i32
      %mul3A_521 = arith.constant 1120 : i32
      %mul3A_522 = arith.muli %add3A_520, %mul3A_521 : i32
      %dma_start3A_523 = arith.constant 14560 : i32
      %dma_start3A_524 = tpu.memref_slice %arg7[%dma_start3A_523] : memref<17920xf32, #tpu.memory_space<vmem>> -> memref<1120xf32, #tpu.memory_space<vmem>>
      %dma_start3A_525 = tpu.memref_slice %arg2[%mul3A_522] : memref<110100480xf32, #tpu.memory_space<hbm>> -> memref<1120xf32, #tpu.memory_space<hbm>>
      %dma_start3A_526 = arith.constant 14560 : i32
      %dma_start3A_527 = tpu.memref_slice %arg7[%dma_start3A_526] : memref<17920xf32, #tpu.memory_space<vmem>> -> memref<1120xf32, #tpu.memory_space<vmem>>
      %dma_start3A_528 = tpu.memref_slice %arg2[%mul3A_522] : memref<110100480xf32, #tpu.memory_space<hbm>> -> memref<1120xf32, #tpu.memory_space<hbm>>
      tpu.enqueue_dma source(%dma_start3A_528 : memref<1120xf32, #tpu.memory_space<hbm>>) target(%dma_start3A_527 : memref<1120xf32, #tpu.memory_space<vmem>>) target_semaphore(%arg11 : memref<!tpu.dma_semaphore, #tpu.memory_space<semaphore_mem>>)
      %mul3A_529 = arith.constant 16 : i32
      %mul3A_530 = arith.muli %add3A_318, %mul3A_529 : i32
      %add3A_531 = arith.constant 14 : i32
      %add3A_532 = arith.addi %mul3A_530, %add3A_531 : i32
      %mul3A_533 = arith.constant 16 : i32
      %mul3A_534 = arith.muli %add3A_532, %mul3A_533 : i32
      %add3A_535 = arith.addi %mul3A_534, %select_n3A_9 : i32
      %mul3A_536 = arith.constant 1120 : i32
      %mul3A_537 = arith.muli %add3A_535, %mul3A_536 : i32
      %dma_start3A_538 = arith.constant 15680 : i32
      %dma_start3A_539 = tpu.memref_slice %arg7[%dma_start3A_538] : memref<17920xf32, #tpu.memory_space<vmem>> -> memref<1120xf32, #tpu.memory_space<vmem>>
      %dma_start3A_540 = tpu.memref_slice %arg2[%mul3A_537] : memref<110100480xf32, #tpu.memory_space<hbm>> -> memref<1120xf32, #tpu.memory_space<hbm>>
      %dma_start3A_541 = arith.constant 15680 : i32
      %dma_start3A_542 = tpu.memref_slice %arg7[%dma_start3A_541] : memref<17920xf32, #tpu.memory_space<vmem>> -> memref<1120xf32, #tpu.memory_space<vmem>>
      %dma_start3A_543 = tpu.memref_slice %arg2[%mul3A_537] : memref<110100480xf32, #tpu.memory_space<hbm>> -> memref<1120xf32, #tpu.memory_space<hbm>>
      tpu.enqueue_dma source(%dma_start3A_543 : memref<1120xf32, #tpu.memory_space<hbm>>) target(%dma_start3A_542 : memref<1120xf32, #tpu.memory_space<vmem>>) target_semaphore(%arg11 : memref<!tpu.dma_semaphore, #tpu.memory_space<semaphore_mem>>)
      %mul3A_544 = arith.constant 16 : i32
      %mul3A_545 = arith.muli %add3A_318, %mul3A_544 : i32
      %add3A_546 = arith.constant 15 : i32
      %add3A_547 = arith.addi %mul3A_545, %add3A_546 : i32
      %mul3A_548 = arith.constant 16 : i32
      %mul3A_549 = arith.muli %add3A_547, %mul3A_548 : i32
      %add3A_550 = arith.addi %mul3A_549, %select_n3A_9 : i32
      %mul3A_551 = arith.constant 1120 : i32
      %mul3A_552 = arith.muli %add3A_550, %mul3A_551 : i32
      %dma_start3A_553 = arith.constant 16800 : i32
      %dma_start3A_554 = tpu.memref_slice %arg7[%dma_start3A_553] : memref<17920xf32, #tpu.memory_space<vmem>> -> memref<1120xf32, #tpu.memory_space<vmem>>
      %dma_start3A_555 = tpu.memref_slice %arg2[%mul3A_552] : memref<110100480xf32, #tpu.memory_space<hbm>> -> memref<1120xf32, #tpu.memory_space<hbm>>
      %dma_start3A_556 = arith.constant 16800 : i32
      %dma_start3A_557 = tpu.memref_slice %arg7[%dma_start3A_556] : memref<17920xf32, #tpu.memory_space<vmem>> -> memref<1120xf32, #tpu.memory_space<vmem>>
      %dma_start3A_558 = tpu.memref_slice %arg2[%mul3A_552] : memref<110100480xf32, #tpu.memory_space<hbm>> -> memref<1120xf32, #tpu.memory_space<hbm>>
      tpu.enqueue_dma source(%dma_start3A_558 : memref<1120xf32, #tpu.memory_space<hbm>>) target(%dma_start3A_557 : memref<1120xf32, #tpu.memory_space<vmem>>) target_semaphore(%arg11 : memref<!tpu.dma_semaphore, #tpu.memory_space<semaphore_mem>>)
      %gt3A = arith.constant 0 : i32
      %gt3A_559 = arith.cmpi sgt, %scan3A_303, %gt3A : i32
      %convert_element_type3A = arith.extui %gt3A_559 : i1 to i32
      %cond3A = arith.constant 0 : i32
      %cond3A_560 = arith.cmpi ne, %convert_element_type3A, %cond3A : i32
      scf.if %cond3A_560 {
        %dma_wait3A_848 = arith.constant 0 : i32
        %dma_wait3A_849 = arith.constant 0 : i32
        %dma_wait3A_850 = arith.constant 0 : i32
        %dma_wait3A_851 = tpu.memref_slice %arg4[%dma_wait3A_848, %dma_wait3A_849, %dma_wait3A_850] : memref<384x512x512xf32, #tpu.memory_space<hbm>> -> memref<1x32x512xf32, #tpu.memory_space<hbm>>
        %dma_wait3A_852 = tpu.memref_squeeze %dma_wait3A_851 : memref<1x32x512xf32, #tpu.memory_space<hbm>> -> memref<32x512xf32, #tpu.memory_space<hbm>>
        %dma_wait3A_853 = arith.constant 0 : i32
        %dma_wait3A_854 = arith.constant 0 : i32
        %dma_wait3A_855 = tpu.memref_slice %arg4[%dma_wait3A_848, %dma_wait3A_853, %dma_wait3A_854] : memref<384x512x512xf32, #tpu.memory_space<hbm>> -> memref<1x32x512xf32, #tpu.memory_space<hbm>>
        %dma_wait3A_856 = tpu.memref_squeeze %dma_wait3A_855 : memref<1x32x512xf32, #tpu.memory_space<hbm>> -> memref<32x512xf32, #tpu.memory_space<hbm>>
        tpu.wait_dma2 semaphore(%arg12 : memref<!tpu.dma_semaphore, #tpu.memory_space<semaphore_mem>>) src(%arg8 : memref<32x512xf32, #tpu.memory_space<vmem>>) dst(%dma_wait3A_856 : memref<32x512xf32, #tpu.memory_space<hbm>>)
      } else {
      }
      %parallel_loop3A = arith.constant 0 : i32
      %parallel_loop3A_561 = arith.constant 512 : i32
      %parallel_loop3A_562 = arith.constant 1 : i32
      scf.for %parallel_loop3A_848 = %parallel_loop3A to %parallel_loop3A_561 step %parallel_loop3A_562  : i32 {
        %parallel_loop3A_849 = arith.constant 16 : i32
        %parallel_loop3A_850 = arith.muli %parallel_loop3A_848, %parallel_loop3A_849 : i32
        %parallel_loop3A_851 = arith.index_cast %parallel_loop3A_850 : i32 to index
        %parallel_loop3A_852 = tpu.vector_load %arg5[%parallel_loop3A_851] {strides = array<i32>} : memref<8192xi32, #tpu.memory_space<vmem>>, vector<16xi32>,
        %parallel_loop3A_853 = arith.constant 65535 : i32
        %parallel_loop3A_854 = vector.broadcast %parallel_loop3A_853 : i32 to vector<16xi32>
        %parallel_loop3A_855 = arith.andi %parallel_loop3A_852, %parallel_loop3A_854 : vector<16xi32>
        %parallel_loop3A_856 = arith.constant 16 : i32
        %parallel_loop3A_857 = vector.broadcast %parallel_loop3A_856 : i32 to vector<16xi32>
        %parallel_loop3A_858 = arith.shrui %parallel_loop3A_852, %parallel_loop3A_857 : vector<16xi32>
        %parallel_loop3A_859 = arith.constant 16 : i32
        %parallel_loop3A_860 = arith.divsi %parallel_loop3A_848, %parallel_loop3A_859 : i32
        %parallel_loop3A_861 = arith.constant 0 : i32
        %parallel_loop3A_862 = arith.cmpi sgt, %parallel_loop3A_848, %parallel_loop3A_861 : i32
        %parallel_loop3A_863 = arith.extui %parallel_loop3A_862 : i1 to i32
        %parallel_loop3A_864 = arith.constant 0 : i32
        %parallel_loop3A_865 = arith.cmpi slt, %parallel_loop3A_848, %parallel_loop3A_864 : i32
        %parallel_loop3A_866 = arith.extui %parallel_loop3A_865 : i1 to i32
        %parallel_loop3A_867 = arith.subi %parallel_loop3A_863, %parallel_loop3A_866 : i32
        %parallel_loop3A_868 = arith.constant 0 : i32
        %parallel_loop3A_869 = arith.cmpi sgt, %parallel_loop3A_859, %parallel_loop3A_868 : i32
        %parallel_loop3A_870 = arith.extui %parallel_loop3A_869 : i1 to i32
        %parallel_loop3A_871 = arith.constant 0 : i32
        %parallel_loop3A_872 = arith.cmpi slt, %parallel_loop3A_859, %parallel_loop3A_871 : i32
        %parallel_loop3A_873 = arith.extui %parallel_loop3A_872 : i1 to i32
        %parallel_loop3A_874 = arith.subi %parallel_loop3A_870, %parallel_loop3A_873 : i32
        %parallel_loop3A_875 = arith.cmpi ne, %parallel_loop3A_867, %parallel_loop3A_874 : i32
        %parallel_loop3A_876 = arith.remsi %parallel_loop3A_848, %parallel_loop3A_859 : i32
        %parallel_loop3A_877 = arith.constant 0 : i32
        %parallel_loop3A_878 = arith.cmpi ne, %parallel_loop3A_876, %parallel_loop3A_877 : i32
        %parallel_loop3A_879 = arith.andi %parallel_loop3A_875, %parallel_loop3A_878 : i1
        %parallel_loop3A_880 = arith.constant 1 : i32
        %parallel_loop3A_881 = arith.subi %parallel_loop3A_860, %parallel_loop3A_880 : i32
        %parallel_loop3A_882 = arith.select %parallel_loop3A_879, %parallel_loop3A_881, %parallel_loop3A_860 : i32
        %parallel_loop3A_883 = arith.constant 16 : i32
        %parallel_loop3A_884 = arith.constant 0 : i32
        %parallel_loop3A_885 = arith.cmpi eq, %parallel_loop3A_883, %parallel_loop3A_884 : i32
        %parallel_loop3A_886 = arith.constant 1 : i32
        %parallel_loop3A_887 = arith.select %parallel_loop3A_885, %parallel_loop3A_886, %parallel_loop3A_883 : i32
        %parallel_loop3A_888 = arith.remsi %parallel_loop3A_848, %parallel_loop3A_887 : i32
        %parallel_loop3A_889 = arith.constant 0 : i32
        %parallel_loop3A_890 = arith.cmpi ne, %parallel_loop3A_888, %parallel_loop3A_889 : i32
        %parallel_loop3A_891 = arith.constant 0 : i32
        %parallel_loop3A_892 = arith.cmpi slt, %parallel_loop3A_888, %parallel_loop3A_891 : i32
        %parallel_loop3A_893 = arith.constant 0 : i32
        %parallel_loop3A_894 = arith.cmpi slt, %parallel_loop3A_887, %parallel_loop3A_893 : i32
        %parallel_loop3A_895 = arith.xori %parallel_loop3A_892, %parallel_loop3A_894 : i1
        %parallel_loop3A_896 = arith.andi %parallel_loop3A_895, %parallel_loop3A_890 : i1
        %parallel_loop3A_897 = arith.addi %parallel_loop3A_888, %parallel_loop3A_887 : i32
        %parallel_loop3A_898 = arith.select %parallel_loop3A_896, %parallel_loop3A_897, %parallel_loop3A_888 : i32
        %parallel_loop3A_899 = arith.constant 32 : i32
        %parallel_loop3A_900 = arith.muli %parallel_loop3A_898, %parallel_loop3A_899 : i32
        %parallel_loop3A_901 = tpu.vector_load_idx %arg6[%parallel_loop3A_855] : memref<17920xf32, #tpu.memory_space<vmem>>[vector<16xi32>], vector<16xf32>,
        %parallel_loop3A_902 = arith.index_cast %parallel_loop3A_882 : i32 to index
        %parallel_loop3A_903 = arith.index_cast %parallel_loop3A_900 : i32 to index
        %parallel_loop3A_904 = tpu.vector_load %arg8[%parallel_loop3A_902, %parallel_loop3A_903] {strides = array<i32>} : memref<32x512xf32, #tpu.memory_space<vmem>>, vector<16xf32>,
        tpu.vector_store %arg8[%parallel_loop3A_902, %parallel_loop3A_903], %parallel_loop3A_901 {strides = array<i32>} : memref<32x512xf32, #tpu.memory_space<vmem>>, vector<16xf32>,
        %parallel_loop3A_905 = tpu.vector_load_idx %arg6[%parallel_loop3A_858] : memref<17920xf32, #tpu.memory_space<vmem>>[vector<16xi32>], vector<16xf32>,
        %parallel_loop3A_906 = arith.constant 16 : i32
        %parallel_loop3A_907 = arith.addi %parallel_loop3A_900, %parallel_loop3A_906 : i32
        %parallel_loop3A_908 = arith.index_cast %parallel_loop3A_882 : i32 to index
        %parallel_loop3A_909 = arith.index_cast %parallel_loop3A_907 : i32 to index
        %parallel_loop3A_910 = tpu.vector_load %arg8[%parallel_loop3A_908, %parallel_loop3A_909] {strides = array<i32>} : memref<32x512xf32, #tpu.memory_space<vmem>>, vector<16xf32>,
        tpu.vector_store %arg8[%parallel_loop3A_908, %parallel_loop3A_909], %parallel_loop3A_905 {strides = array<i32>} : memref<32x512xf32, #tpu.memory_space<vmem>>, vector<16xf32>,
      } {sc.loop_unroll_factor = 8 : i64, sc.parallel_access}
      %mul3A_563 = arith.constant 2 : i32
      %mul3A_564 = arith.muli %add3A_307, %mul3A_563 : i32
      %add3A_565 = arith.addi %mul3A_564, %select_n3A_30 : i32
      %mul3A_566 = arith.constant 32 : i32
      %mul3A_567 = arith.muli %select_n3A_9, %mul3A_566 : i32
      %dma_start3A_568 = arith.constant 0 : i32
      %dma_start3A_569 = tpu.memref_slice %arg4[%add3A_565, %mul3A_567, %dma_start3A_568] : memref<384x512x512xf32, #tpu.memory_space<hbm>> -> memref<1x32x512xf32, #tpu.memory_space<hbm>>
      %dma_start3A_570 = tpu.memref_squeeze %dma_start3A_569 : memref<1x32x512xf32, #tpu.memory_space<hbm>> -> memref<32x512xf32, #tpu.memory_space<hbm>>
      %dma_start3A_571 = arith.constant 0 : i32
      %dma_start3A_572 = tpu.memref_slice %arg4[%add3A_565, %mul3A_567, %dma_start3A_571] : memref<384x512x512xf32, #tpu.memory_space<hbm>> -> memref<1x32x512xf32, #tpu.memory_space<hbm>>
      %dma_start3A_573 = tpu.memref_squeeze %dma_start3A_572 : memref<1x32x512xf32, #tpu.memory_space<hbm>> -> memref<32x512xf32, #tpu.memory_space<hbm>>
      tpu.enqueue_dma source(%arg8 : memref<32x512xf32, #tpu.memory_space<vmem>>) target(%dma_start3A_573 : memref<32x512xf32, #tpu.memory_space<hbm>>) target_semaphore(%arg12 : memref<!tpu.dma_semaphore, #tpu.memory_space<semaphore_mem>>)
      %mul3A_574 = arith.constant 2 : i32
      %mul3A_575 = arith.muli %scan3A_303, %mul3A_574 : i32
      %add3A_576 = arith.constant 1 : i32
      %add3A_577 = arith.addi %mul3A_575, %add3A_576 : i32
      %dma_wait3A_578 = arith.constant 0 : i32
      %dma_wait3A_579 = tpu.memref_slice %arg2[%dma_wait3A_578] : memref<110100480xf32, #tpu.memory_space<hbm>> -> memref<17920xf32, #tpu.memory_space<hbm>>
      %dma_wait3A_580 = arith.constant 0 : i32
      %dma_wait3A_581 = tpu.memref_slice %arg2[%dma_wait3A_580] : memref<110100480xf32, #tpu.memory_space<hbm>> -> memref<17920xf32, #tpu.memory_space<hbm>>
      tpu.wait_dma2 semaphore(%arg11 : memref<!tpu.dma_semaphore, #tpu.memory_space<semaphore_mem>>) src(%dma_wait3A_581 : memref<17920xf32, #tpu.memory_space<hbm>>) dst(%arg7 : memref<17920xf32, #tpu.memory_space<vmem>>)
      %add3A_582 = arith.constant 1 : i32
      %add3A_583 = arith.addi %add3A_577, %add3A_582 : i32
      %min3A_584 = arith.constant 191 : i32
      %min3A_585 = arith.minsi %add3A_583, %min3A_584 : i32
      %mul3A_586 = arith.constant 2 : i32
      %mul3A_587 = arith.muli %min3A_585, %mul3A_586 : i32
      %add3A_588 = arith.addi %mul3A_587, %select_n3A_30 : i32
      %mul3A_589 = arith.constant 16 : i32
      %mul3A_590 = arith.muli %add3A_588, %mul3A_589 : i32
      %add3A_591 = arith.constant 0 : i32
      %add3A_592 = arith.addi %mul3A_590, %add3A_591 : i32
      %mul3A_593 = arith.constant 16 : i32
      %mul3A_594 = arith.muli %add3A_592, %mul3A_593 : i32
      %add3A_595 = arith.addi %mul3A_594, %select_n3A_9 : i32
      %mul3A_596 = arith.constant 1120 : i32
      %mul3A_597 = arith.muli %add3A_595, %mul3A_596 : i32
      %dma_start3A_598 = arith.constant 0 : i32
      %dma_start3A_599 = tpu.memref_slice %arg6[%dma_start3A_598] : memref<17920xf32, #tpu.memory_space<vmem>> -> memref<1120xf32, #tpu.memory_space<vmem>>
      %dma_start3A_600 = tpu.memref_slice %arg2[%mul3A_597] : memref<110100480xf32, #tpu.memory_space<hbm>> -> memref<1120xf32, #tpu.memory_space<hbm>>
      %dma_start3A_601 = arith.constant 0 : i32
      %dma_start3A_602 = tpu.memref_slice %arg6[%dma_start3A_601] : memref<17920xf32, #tpu.memory_space<vmem>> -> memref<1120xf32, #tpu.memory_space<vmem>>
      %dma_start3A_603 = tpu.memref_slice %arg2[%mul3A_597] : memref<110100480xf32, #tpu.memory_space<hbm>> -> memref<1120xf32, #tpu.memory_space<hbm>>
      tpu.enqueue_dma source(%dma_start3A_603 : memref<1120xf32, #tpu.memory_space<hbm>>) target(%dma_start3A_602 : memref<1120xf32, #tpu.memory_space<vmem>>) target_semaphore(%arg10 : memref<!tpu.dma_semaphore, #tpu.memory_space<semaphore_mem>>)
      %mul3A_604 = arith.constant 16 : i32
      %mul3A_605 = arith.muli %add3A_588, %mul3A_604 : i32
      %add3A_606 = arith.constant 1 : i32
      %add3A_607 = arith.addi %mul3A_605, %add3A_606 : i32
      %mul3A_608 = arith.constant 16 : i32
      %mul3A_609 = arith.muli %add3A_607, %mul3A_608 : i32
      %add3A_610 = arith.addi %mul3A_609, %select_n3A_9 : i32
      %mul3A_611 = arith.constant 1120 : i32
      %mul3A_612 = arith.muli %add3A_610, %mul3A_611 : i32
      %dma_start3A_613 = arith.constant 1120 : i32
      %dma_start3A_614 = tpu.memref_slice %arg6[%dma_start3A_613] : memref<17920xf32, #tpu.memory_space<vmem>> -> memref<1120xf32, #tpu.memory_space<vmem>>
      %dma_start3A_615 = tpu.memref_slice %arg2[%mul3A_612] : memref<110100480xf32, #tpu.memory_space<hbm>> -> memref<1120xf32, #tpu.memory_space<hbm>>
      %dma_start3A_616 = arith.constant 1120 : i32
      %dma_start3A_617 = tpu.memref_slice %arg6[%dma_start3A_616] : memref<17920xf32, #tpu.memory_space<vmem>> -> memref<1120xf32, #tpu.memory_space<vmem>>
      %dma_start3A_618 = tpu.memref_slice %arg2[%mul3A_612] : memref<110100480xf32, #tpu.memory_space<hbm>> -> memref<1120xf32, #tpu.memory_space<hbm>>
      tpu.enqueue_dma source(%dma_start3A_618 : memref<1120xf32, #tpu.memory_space<hbm>>) target(%dma_start3A_617 : memref<1120xf32, #tpu.memory_space<vmem>>) target_semaphore(%arg10 : memref<!tpu.dma_semaphore, #tpu.memory_space<semaphore_mem>>)
      %mul3A_619 = arith.constant 16 : i32
      %mul3A_620 = arith.muli %add3A_588, %mul3A_619 : i32
      %add3A_621 = arith.constant 2 : i32
      %add3A_622 = arith.addi %mul3A_620, %add3A_621 : i32
      %mul3A_623 = arith.constant 16 : i32
      %mul3A_624 = arith.muli %add3A_622, %mul3A_623 : i32
      %add3A_625 = arith.addi %mul3A_624, %select_n3A_9 : i32
      %mul3A_626 = arith.constant 1120 : i32
      %mul3A_627 = arith.muli %add3A_625, %mul3A_626 : i32
      %dma_start3A_628 = arith.constant 2240 : i32
      %dma_start3A_629 = tpu.memref_slice %arg6[%dma_start3A_628] : memref<17920xf32, #tpu.memory_space<vmem>> -> memref<1120xf32, #tpu.memory_space<vmem>>
      %dma_start3A_630 = tpu.memref_slice %arg2[%mul3A_627] : memref<110100480xf32, #tpu.memory_space<hbm>> -> memref<1120xf32, #tpu.memory_space<hbm>>
      %dma_start3A_631 = arith.constant 2240 : i32
      %dma_start3A_632 = tpu.memref_slice %arg6[%dma_start3A_631] : memref<17920xf32, #tpu.memory_space<vmem>> -> memref<1120xf32, #tpu.memory_space<vmem>>
      %dma_start3A_633 = tpu.memref_slice %arg2[%mul3A_627] : memref<110100480xf32, #tpu.memory_space<hbm>> -> memref<1120xf32, #tpu.memory_space<hbm>>
      tpu.enqueue_dma source(%dma_start3A_633 : memref<1120xf32, #tpu.memory_space<hbm>>) target(%dma_start3A_632 : memref<1120xf32, #tpu.memory_space<vmem>>) target_semaphore(%arg10 : memref<!tpu.dma_semaphore, #tpu.memory_space<semaphore_mem>>)
      %mul3A_634 = arith.constant 16 : i32
      %mul3A_635 = arith.muli %add3A_588, %mul3A_634 : i32
      %add3A_636 = arith.constant 3 : i32
      %add3A_637 = arith.addi %mul3A_635, %add3A_636 : i32
      %mul3A_638 = arith.constant 16 : i32
      %mul3A_639 = arith.muli %add3A_637, %mul3A_638 : i32
      %add3A_640 = arith.addi %mul3A_639, %select_n3A_9 : i32
      %mul3A_641 = arith.constant 1120 : i32
      %mul3A_642 = arith.muli %add3A_640, %mul3A_641 : i32
      %dma_start3A_643 = arith.constant 3360 : i32
      %dma_start3A_644 = tpu.memref_slice %arg6[%dma_start3A_643] : memref<17920xf32, #tpu.memory_space<vmem>> -> memref<1120xf32, #tpu.memory_space<vmem>>
      %dma_start3A_645 = tpu.memref_slice %arg2[%mul3A_642] : memref<110100480xf32, #tpu.memory_space<hbm>> -> memref<1120xf32, #tpu.memory_space<hbm>>
      %dma_start3A_646 = arith.constant 3360 : i32
      %dma_start3A_647 = tpu.memref_slice %arg6[%dma_start3A_646] : memref<17920xf32, #tpu.memory_space<vmem>> -> memref<1120xf32, #tpu.memory_space<vmem>>
      %dma_start3A_648 = tpu.memref_slice %arg2[%mul3A_642] : memref<110100480xf32, #tpu.memory_space<hbm>> -> memref<1120xf32, #tpu.memory_space<hbm>>
      tpu.enqueue_dma source(%dma_start3A_648 : memref<1120xf32, #tpu.memory_space<hbm>>) target(%dma_start3A_647 : memref<1120xf32, #tpu.memory_space<vmem>>) target_semaphore(%arg10 : memref<!tpu.dma_semaphore, #tpu.memory_space<semaphore_mem>>)
      %mul3A_649 = arith.constant 16 : i32
      %mul3A_650 = arith.muli %add3A_588, %mul3A_649 : i32
      %add3A_651 = arith.constant 4 : i32
      %add3A_652 = arith.addi %mul3A_650, %add3A_651 : i32
      %mul3A_653 = arith.constant 16 : i32
      %mul3A_654 = arith.muli %add3A_652, %mul3A_653 : i32
      %add3A_655 = arith.addi %mul3A_654, %select_n3A_9 : i32
      %mul3A_656 = arith.constant 1120 : i32
      %mul3A_657 = arith.muli %add3A_655, %mul3A_656 : i32
      %dma_start3A_658 = arith.constant 4480 : i32
      %dma_start3A_659 = tpu.memref_slice %arg6[%dma_start3A_658] : memref<17920xf32, #tpu.memory_space<vmem>> -> memref<1120xf32, #tpu.memory_space<vmem>>
      %dma_start3A_660 = tpu.memref_slice %arg2[%mul3A_657] : memref<110100480xf32, #tpu.memory_space<hbm>> -> memref<1120xf32, #tpu.memory_space<hbm>>
      %dma_start3A_661 = arith.constant 4480 : i32
      %dma_start3A_662 = tpu.memref_slice %arg6[%dma_start3A_661] : memref<17920xf32, #tpu.memory_space<vmem>> -> memref<1120xf32, #tpu.memory_space<vmem>>
      %dma_start3A_663 = tpu.memref_slice %arg2[%mul3A_657] : memref<110100480xf32, #tpu.memory_space<hbm>> -> memref<1120xf32, #tpu.memory_space<hbm>>
      tpu.enqueue_dma source(%dma_start3A_663 : memref<1120xf32, #tpu.memory_space<hbm>>) target(%dma_start3A_662 : memref<1120xf32, #tpu.memory_space<vmem>>) target_semaphore(%arg10 : memref<!tpu.dma_semaphore, #tpu.memory_space<semaphore_mem>>)
      %mul3A_664 = arith.constant 16 : i32
      %mul3A_665 = arith.muli %add3A_588, %mul3A_664 : i32
      %add3A_666 = arith.constant 5 : i32
      %add3A_667 = arith.addi %mul3A_665, %add3A_666 : i32
      %mul3A_668 = arith.constant 16 : i32
      %mul3A_669 = arith.muli %add3A_667, %mul3A_668 : i32
      %add3A_670 = arith.addi %mul3A_669, %select_n3A_9 : i32
      %mul3A_671 = arith.constant 1120 : i32
      %mul3A_672 = arith.muli %add3A_670, %mul3A_671 : i32
      %dma_start3A_673 = arith.constant 5600 : i32
      %dma_start3A_674 = tpu.memref_slice %arg6[%dma_start3A_673] : memref<17920xf32, #tpu.memory_space<vmem>> -> memref<1120xf32, #tpu.memory_space<vmem>>
      %dma_start3A_675 = tpu.memref_slice %arg2[%mul3A_672] : memref<110100480xf32, #tpu.memory_space<hbm>> -> memref<1120xf32, #tpu.memory_space<hbm>>
      %dma_start3A_676 = arith.constant 5600 : i32
      %dma_start3A_677 = tpu.memref_slice %arg6[%dma_start3A_676] : memref<17920xf32, #tpu.memory_space<vmem>> -> memref<1120xf32, #tpu.memory_space<vmem>>
      %dma_start3A_678 = tpu.memref_slice %arg2[%mul3A_672] : memref<110100480xf32, #tpu.memory_space<hbm>> -> memref<1120xf32, #tpu.memory_space<hbm>>
      tpu.enqueue_dma source(%dma_start3A_678 : memref<1120xf32, #tpu.memory_space<hbm>>) target(%dma_start3A_677 : memref<1120xf32, #tpu.memory_space<vmem>>) target_semaphore(%arg10 : memref<!tpu.dma_semaphore, #tpu.memory_space<semaphore_mem>>)
      %mul3A_679 = arith.constant 16 : i32
      %mul3A_680 = arith.muli %add3A_588, %mul3A_679 : i32
      %add3A_681 = arith.constant 6 : i32
      %add3A_682 = arith.addi %mul3A_680, %add3A_681 : i32
      %mul3A_683 = arith.constant 16 : i32
      %mul3A_684 = arith.muli %add3A_682, %mul3A_683 : i32
      %add3A_685 = arith.addi %mul3A_684, %select_n3A_9 : i32
      %mul3A_686 = arith.constant 1120 : i32
      %mul3A_687 = arith.muli %add3A_685, %mul3A_686 : i32
      %dma_start3A_688 = arith.constant 6720 : i32
      %dma_start3A_689 = tpu.memref_slice %arg6[%dma_start3A_688] : memref<17920xf32, #tpu.memory_space<vmem>> -> memref<1120xf32, #tpu.memory_space<vmem>>
      %dma_start3A_690 = tpu.memref_slice %arg2[%mul3A_687] : memref<110100480xf32, #tpu.memory_space<hbm>> -> memref<1120xf32, #tpu.memory_space<hbm>>
      %dma_start3A_691 = arith.constant 6720 : i32
      %dma_start3A_692 = tpu.memref_slice %arg6[%dma_start3A_691] : memref<17920xf32, #tpu.memory_space<vmem>> -> memref<1120xf32, #tpu.memory_space<vmem>>
      %dma_start3A_693 = tpu.memref_slice %arg2[%mul3A_687] : memref<110100480xf32, #tpu.memory_space<hbm>> -> memref<1120xf32, #tpu.memory_space<hbm>>
      tpu.enqueue_dma source(%dma_start3A_693 : memref<1120xf32, #tpu.memory_space<hbm>>) target(%dma_start3A_692 : memref<1120xf32, #tpu.memory_space<vmem>>) target_semaphore(%arg10 : memref<!tpu.dma_semaphore, #tpu.memory_space<semaphore_mem>>)
      %mul3A_694 = arith.constant 16 : i32
      %mul3A_695 = arith.muli %add3A_588, %mul3A_694 : i32
      %add3A_696 = arith.constant 7 : i32
      %add3A_697 = arith.addi %mul3A_695, %add3A_696 : i32
      %mul3A_698 = arith.constant 16 : i32
      %mul3A_699 = arith.muli %add3A_697, %mul3A_698 : i32
      %add3A_700 = arith.addi %mul3A_699, %select_n3A_9 : i32
      %mul3A_701 = arith.constant 1120 : i32
      %mul3A_702 = arith.muli %add3A_700, %mul3A_701 : i32
      %dma_start3A_703 = arith.constant 7840 : i32
      %dma_start3A_704 = tpu.memref_slice %arg6[%dma_start3A_703] : memref<17920xf32, #tpu.memory_space<vmem>> -> memref<1120xf32, #tpu.memory_space<vmem>>
      %dma_start3A_705 = tpu.memref_slice %arg2[%mul3A_702] : memref<110100480xf32, #tpu.memory_space<hbm>> -> memref<1120xf32, #tpu.memory_space<hbm>>
      %dma_start3A_706 = arith.constant 7840 : i32
      %dma_start3A_707 = tpu.memref_slice %arg6[%dma_start3A_706] : memref<17920xf32, #tpu.memory_space<vmem>> -> memref<1120xf32, #tpu.memory_space<vmem>>
      %dma_start3A_708 = tpu.memref_slice %arg2[%mul3A_702] : memref<110100480xf32, #tpu.memory_space<hbm>> -> memref<1120xf32, #tpu.memory_space<hbm>>
      tpu.enqueue_dma source(%dma_start3A_708 : memref<1120xf32, #tpu.memory_space<hbm>>) target(%dma_start3A_707 : memref<1120xf32, #tpu.memory_space<vmem>>) target_semaphore(%arg10 : memref<!tpu.dma_semaphore, #tpu.memory_space<semaphore_mem>>)
      %mul3A_709 = arith.constant 16 : i32
      %mul3A_710 = arith.muli %add3A_588, %mul3A_709 : i32
      %add3A_711 = arith.constant 8 : i32
      %add3A_712 = arith.addi %mul3A_710, %add3A_711 : i32
      %mul3A_713 = arith.constant 16 : i32
      %mul3A_714 = arith.muli %add3A_712, %mul3A_713 : i32
      %add3A_715 = arith.addi %mul3A_714, %select_n3A_9 : i32
      %mul3A_716 = arith.constant 1120 : i32
      %mul3A_717 = arith.muli %add3A_715, %mul3A_716 : i32
      %dma_start3A_718 = arith.constant 8960 : i32
      %dma_start3A_719 = tpu.memref_slice %arg6[%dma_start3A_718] : memref<17920xf32, #tpu.memory_space<vmem>> -> memref<1120xf32, #tpu.memory_space<vmem>>
      %dma_start3A_720 = tpu.memref_slice %arg2[%mul3A_717] : memref<110100480xf32, #tpu.memory_space<hbm>> -> memref<1120xf32, #tpu.memory_space<hbm>>
      %dma_start3A_721 = arith.constant 8960 : i32
      %dma_start3A_722 = tpu.memref_slice %arg6[%dma_start3A_721] : memref<17920xf32, #tpu.memory_space<vmem>> -> memref<1120xf32, #tpu.memory_space<vmem>>
      %dma_start3A_723 = tpu.memref_slice %arg2[%mul3A_717] : memref<110100480xf32, #tpu.memory_space<hbm>> -> memref<1120xf32, #tpu.memory_space<hbm>>
      tpu.enqueue_dma source(%dma_start3A_723 : memref<1120xf32, #tpu.memory_space<hbm>>) target(%dma_start3A_722 : memref<1120xf32, #tpu.memory_space<vmem>>) target_semaphore(%arg10 : memref<!tpu.dma_semaphore, #tpu.memory_space<semaphore_mem>>)
      %mul3A_724 = arith.constant 16 : i32
      %mul3A_725 = arith.muli %add3A_588, %mul3A_724 : i32
      %add3A_726 = arith.constant 9 : i32
      %add3A_727 = arith.addi %mul3A_725, %add3A_726 : i32
      %mul3A_728 = arith.constant 16 : i32
      %mul3A_729 = arith.muli %add3A_727, %mul3A_728 : i32
      %add3A_730 = arith.addi %mul3A_729, %select_n3A_9 : i32
      %mul3A_731 = arith.constant 1120 : i32
      %mul3A_732 = arith.muli %add3A_730, %mul3A_731 : i32
      %dma_start3A_733 = arith.constant 10080 : i32
      %dma_start3A_734 = tpu.memref_slice %arg6[%dma_start3A_733] : memref<17920xf32, #tpu.memory_space<vmem>> -> memref<1120xf32, #tpu.memory_space<vmem>>
      %dma_start3A_735 = tpu.memref_slice %arg2[%mul3A_732] : memref<110100480xf32, #tpu.memory_space<hbm>> -> memref<1120xf32, #tpu.memory_space<hbm>>
      %dma_start3A_736 = arith.constant 10080 : i32
      %dma_start3A_737 = tpu.memref_slice %arg6[%dma_start3A_736] : memref<17920xf32, #tpu.memory_space<vmem>> -> memref<1120xf32, #tpu.memory_space<vmem>>
      %dma_start3A_738 = tpu.memref_slice %arg2[%mul3A_732] : memref<110100480xf32, #tpu.memory_space<hbm>> -> memref<1120xf32, #tpu.memory_space<hbm>>
      tpu.enqueue_dma source(%dma_start3A_738 : memref<1120xf32, #tpu.memory_space<hbm>>) target(%dma_start3A_737 : memref<1120xf32, #tpu.memory_space<vmem>>) target_semaphore(%arg10 : memref<!tpu.dma_semaphore, #tpu.memory_space<semaphore_mem>>)
      %mul3A_739 = arith.constant 16 : i32
      %mul3A_740 = arith.muli %add3A_588, %mul3A_739 : i32
      %add3A_741 = arith.constant 10 : i32
      %add3A_742 = arith.addi %mul3A_740, %add3A_741 : i32
      %mul3A_743 = arith.constant 16 : i32
      %mul3A_744 = arith.muli %add3A_742, %mul3A_743 : i32
      %add3A_745 = arith.addi %mul3A_744, %select_n3A_9 : i32
      %mul3A_746 = arith.constant 1120 : i32
      %mul3A_747 = arith.muli %add3A_745, %mul3A_746 : i32
      %dma_start3A_748 = arith.constant 11200 : i32
      %dma_start3A_749 = tpu.memref_slice %arg6[%dma_start3A_748] : memref<17920xf32, #tpu.memory_space<vmem>> -> memref<1120xf32, #tpu.memory_space<vmem>>
      %dma_start3A_750 = tpu.memref_slice %arg2[%mul3A_747] : memref<110100480xf32, #tpu.memory_space<hbm>> -> memref<1120xf32, #tpu.memory_space<hbm>>
      %dma_start3A_751 = arith.constant 11200 : i32
      %dma_start3A_752 = tpu.memref_slice %arg6[%dma_start3A_751] : memref<17920xf32, #tpu.memory_space<vmem>> -> memref<1120xf32, #tpu.memory_space<vmem>>
      %dma_start3A_753 = tpu.memref_slice %arg2[%mul3A_747] : memref<110100480xf32, #tpu.memory_space<hbm>> -> memref<1120xf32, #tpu.memory_space<hbm>>
      tpu.enqueue_dma source(%dma_start3A_753 : memref<1120xf32, #tpu.memory_space<hbm>>) target(%dma_start3A_752 : memref<1120xf32, #tpu.memory_space<vmem>>) target_semaphore(%arg10 : memref<!tpu.dma_semaphore, #tpu.memory_space<semaphore_mem>>)
      %mul3A_754 = arith.constant 16 : i32
      %mul3A_755 = arith.muli %add3A_588, %mul3A_754 : i32
      %add3A_756 = arith.constant 11 : i32
      %add3A_757 = arith.addi %mul3A_755, %add3A_756 : i32
      %mul3A_758 = arith.constant 16 : i32
      %mul3A_759 = arith.muli %add3A_757, %mul3A_758 : i32
      %add3A_760 = arith.addi %mul3A_759, %select_n3A_9 : i32
      %mul3A_761 = arith.constant 1120 : i32
      %mul3A_762 = arith.muli %add3A_760, %mul3A_761 : i32
      %dma_start3A_763 = arith.constant 12320 : i32
      %dma_start3A_764 = tpu.memref_slice %arg6[%dma_start3A_763] : memref<17920xf32, #tpu.memory_space<vmem>> -> memref<1120xf32, #tpu.memory_space<vmem>>
      %dma_start3A_765 = tpu.memref_slice %arg2[%mul3A_762] : memref<110100480xf32, #tpu.memory_space<hbm>> -> memref<1120xf32, #tpu.memory_space<hbm>>
      %dma_start3A_766 = arith.constant 12320 : i32
      %dma_start3A_767 = tpu.memref_slice %arg6[%dma_start3A_766] : memref<17920xf32, #tpu.memory_space<vmem>> -> memref<1120xf32, #tpu.memory_space<vmem>>
      %dma_start3A_768 = tpu.memref_slice %arg2[%mul3A_762] : memref<110100480xf32, #tpu.memory_space<hbm>> -> memref<1120xf32, #tpu.memory_space<hbm>>
      tpu.enqueue_dma source(%dma_start3A_768 : memref<1120xf32, #tpu.memory_space<hbm>>) target(%dma_start3A_767 : memref<1120xf32, #tpu.memory_space<vmem>>) target_semaphore(%arg10 : memref<!tpu.dma_semaphore, #tpu.memory_space<semaphore_mem>>)
      %mul3A_769 = arith.constant 16 : i32
      %mul3A_770 = arith.muli %add3A_588, %mul3A_769 : i32
      %add3A_771 = arith.constant 12 : i32
      %add3A_772 = arith.addi %mul3A_770, %add3A_771 : i32
      %mul3A_773 = arith.constant 16 : i32
      %mul3A_774 = arith.muli %add3A_772, %mul3A_773 : i32
      %add3A_775 = arith.addi %mul3A_774, %select_n3A_9 : i32
      %mul3A_776 = arith.constant 1120 : i32
      %mul3A_777 = arith.muli %add3A_775, %mul3A_776 : i32
      %dma_start3A_778 = arith.constant 13440 : i32
      %dma_start3A_779 = tpu.memref_slice %arg6[%dma_start3A_778] : memref<17920xf32, #tpu.memory_space<vmem>> -> memref<1120xf32, #tpu.memory_space<vmem>>
      %dma_start3A_780 = tpu.memref_slice %arg2[%mul3A_777] : memref<110100480xf32, #tpu.memory_space<hbm>> -> memref<1120xf32, #tpu.memory_space<hbm>>
      %dma_start3A_781 = arith.constant 13440 : i32
      %dma_start3A_782 = tpu.memref_slice %arg6[%dma_start3A_781] : memref<17920xf32, #tpu.memory_space<vmem>> -> memref<1120xf32, #tpu.memory_space<vmem>>
      %dma_start3A_783 = tpu.memref_slice %arg2[%mul3A_777] : memref<110100480xf32, #tpu.memory_space<hbm>> -> memref<1120xf32, #tpu.memory_space<hbm>>
      tpu.enqueue_dma source(%dma_start3A_783 : memref<1120xf32, #tpu.memory_space<hbm>>) target(%dma_start3A_782 : memref<1120xf32, #tpu.memory_space<vmem>>) target_semaphore(%arg10 : memref<!tpu.dma_semaphore, #tpu.memory_space<semaphore_mem>>)
      %mul3A_784 = arith.constant 16 : i32
      %mul3A_785 = arith.muli %add3A_588, %mul3A_784 : i32
      %add3A_786 = arith.constant 13 : i32
      %add3A_787 = arith.addi %mul3A_785, %add3A_786 : i32
      %mul3A_788 = arith.constant 16 : i32
      %mul3A_789 = arith.muli %add3A_787, %mul3A_788 : i32
      %add3A_790 = arith.addi %mul3A_789, %select_n3A_9 : i32
      %mul3A_791 = arith.constant 1120 : i32
      %mul3A_792 = arith.muli %add3A_790, %mul3A_791 : i32
      %dma_start3A_793 = arith.constant 14560 : i32
      %dma_start3A_794 = tpu.memref_slice %arg6[%dma_start3A_793] : memref<17920xf32, #tpu.memory_space<vmem>> -> memref<1120xf32, #tpu.memory_space<vmem>>
      %dma_start3A_795 = tpu.memref_slice %arg2[%mul3A_792] : memref<110100480xf32, #tpu.memory_space<hbm>> -> memref<1120xf32, #tpu.memory_space<hbm>>
      %dma_start3A_796 = arith.constant 14560 : i32
      %dma_start3A_797 = tpu.memref_slice %arg6[%dma_start3A_796] : memref<17920xf32, #tpu.memory_space<vmem>> -> memref<1120xf32, #tpu.memory_space<vmem>>
      %dma_start3A_798 = tpu.memref_slice %arg2[%mul3A_792] : memref<110100480xf32, #tpu.memory_space<hbm>> -> memref<1120xf32, #tpu.memory_space<hbm>>
      tpu.enqueue_dma source(%dma_start3A_798 : memref<1120xf32, #tpu.memory_space<hbm>>) target(%dma_start3A_797 : memref<1120xf32, #tpu.memory_space<vmem>>) target_semaphore(%arg10 : memref<!tpu.dma_semaphore, #tpu.memory_space<semaphore_mem>>)
      %mul3A_799 = arith.constant 16 : i32
      %mul3A_800 = arith.muli %add3A_588, %mul3A_799 : i32
      %add3A_801 = arith.constant 14 : i32
      %add3A_802 = arith.addi %mul3A_800, %add3A_801 : i32
      %mul3A_803 = arith.constant 16 : i32
      %mul3A_804 = arith.muli %add3A_802, %mul3A_803 : i32
      %add3A_805 = arith.addi %mul3A_804, %select_n3A_9 : i32
      %mul3A_806 = arith.constant 1120 : i32
      %mul3A_807 = arith.muli %add3A_805, %mul3A_806 : i32
      %dma_start3A_808 = arith.constant 15680 : i32
      %dma_start3A_809 = tpu.memref_slice %arg6[%dma_start3A_808] : memref<17920xf32, #tpu.memory_space<vmem>> -> memref<1120xf32, #tpu.memory_space<vmem>>
      %dma_start3A_810 = tpu.memref_slice %arg2[%mul3A_807] : memref<110100480xf32, #tpu.memory_space<hbm>> -> memref<1120xf32, #tpu.memory_space<hbm>>
      %dma_start3A_811 = arith.constant 15680 : i32
      %dma_start3A_812 = tpu.memref_slice %arg6[%dma_start3A_811] : memref<17920xf32, #tpu.memory_space<vmem>> -> memref<1120xf32, #tpu.memory_space<vmem>>
      %dma_start3A_813 = tpu.memref_slice %arg2[%mul3A_807] : memref<110100480xf32, #tpu.memory_space<hbm>> -> memref<1120xf32, #tpu.memory_space<hbm>>
      tpu.enqueue_dma source(%dma_start3A_813 : memref<1120xf32, #tpu.memory_space<hbm>>) target(%dma_start3A_812 : memref<1120xf32, #tpu.memory_space<vmem>>) target_semaphore(%arg10 : memref<!tpu.dma_semaphore, #tpu.memory_space<semaphore_mem>>)
      %mul3A_814 = arith.constant 16 : i32
      %mul3A_815 = arith.muli %add3A_588, %mul3A_814 : i32
      %add3A_816 = arith.constant 15 : i32
      %add3A_817 = arith.addi %mul3A_815, %add3A_816 : i32
      %mul3A_818 = arith.constant 16 : i32
      %mul3A_819 = arith.muli %add3A_817, %mul3A_818 : i32
      %add3A_820 = arith.addi %mul3A_819, %select_n3A_9 : i32
      %mul3A_821 = arith.constant 1120 : i32
      %mul3A_822 = arith.muli %add3A_820, %mul3A_821 : i32
      %dma_start3A_823 = arith.constant 16800 : i32
      %dma_start3A_824 = tpu.memref_slice %arg6[%dma_start3A_823] : memref<17920xf32, #tpu.memory_space<vmem>> -> memref<1120xf32, #tpu.memory_space<vmem>>
      %dma_start3A_825 = tpu.memref_slice %arg2[%mul3A_822] : memref<110100480xf32, #tpu.memory_space<hbm>> -> memref<1120xf32, #tpu.memory_space<hbm>>
      %dma_start3A_826 = arith.constant 16800 : i32
      %dma_start3A_827 = tpu.memref_slice %arg6[%dma_start3A_826] : memref<17920xf32, #tpu.memory_space<vmem>> -> memref<1120xf32, #tpu.memory_space<vmem>>
      %dma_start3A_828 = tpu.memref_slice %arg2[%mul3A_822] : memref<110100480xf32, #tpu.memory_space<hbm>> -> memref<1120xf32, #tpu.memory_space<hbm>>
      tpu.enqueue_dma source(%dma_start3A_828 : memref<1120xf32, #tpu.memory_space<hbm>>) target(%dma_start3A_827 : memref<1120xf32, #tpu.memory_space<vmem>>) target_semaphore(%arg10 : memref<!tpu.dma_semaphore, #tpu.memory_space<semaphore_mem>>)
      %gt3A_829 = arith.constant 0 : i32
      %gt3A_830 = arith.cmpi sgt, %scan3A_303, %gt3A_829 : i32
      %convert_element_type3A_831 = arith.extui %gt3A_830 : i1 to i32
      %cond3A_832 = arith.constant 0 : i32
      %cond3A_833 = arith.cmpi ne, %convert_element_type3A_831, %cond3A_832 : i32
      scf.if %cond3A_833 {
        %dma_wait3A_848 = arith.constant 0 : i32
        %dma_wait3A_849 = arith.constant 0 : i32
        %dma_wait3A_850 = arith.constant 0 : i32
        %dma_wait3A_851 = tpu.memref_slice %arg4[%dma_wait3A_848, %dma_wait3A_849, %dma_wait3A_850] : memref<384x512x512xf32, #tpu.memory_space<hbm>> -> memref<1x32x512xf32, #tpu.memory_space<hbm>>
        %dma_wait3A_852 = tpu.memref_squeeze %dma_wait3A_851 : memref<1x32x512xf32, #tpu.memory_space<hbm>> -> memref<32x512xf32, #tpu.memory_space<hbm>>
        %dma_wait3A_853 = arith.constant 0 : i32
        %dma_wait3A_854 = arith.constant 0 : i32
        %dma_wait3A_855 = tpu.memref_slice %arg4[%dma_wait3A_848, %dma_wait3A_853, %dma_wait3A_854] : memref<384x512x512xf32, #tpu.memory_space<hbm>> -> memref<1x32x512xf32, #tpu.memory_space<hbm>>
        %dma_wait3A_856 = tpu.memref_squeeze %dma_wait3A_855 : memref<1x32x512xf32, #tpu.memory_space<hbm>> -> memref<32x512xf32, #tpu.memory_space<hbm>>
        tpu.wait_dma2 semaphore(%arg13 : memref<!tpu.dma_semaphore, #tpu.memory_space<semaphore_mem>>) src(%arg9 : memref<32x512xf32, #tpu.memory_space<vmem>>) dst(%dma_wait3A_856 : memref<32x512xf32, #tpu.memory_space<hbm>>)
      } else {
      }
      %parallel_loop3A_834 = arith.constant 0 : i32
      %parallel_loop3A_835 = arith.constant 512 : i32
      %parallel_loop3A_836 = arith.constant 1 : i32
      scf.for %parallel_loop3A_848 = %parallel_loop3A_834 to %parallel_loop3A_835 step %parallel_loop3A_836  : i32 {
        %parallel_loop3A_849 = arith.constant 16 : i32
        %parallel_loop3A_850 = arith.muli %parallel_loop3A_848, %parallel_loop3A_849 : i32
        %parallel_loop3A_851 = arith.index_cast %parallel_loop3A_850 : i32 to index
        %parallel_loop3A_852 = tpu.vector_load %arg5[%parallel_loop3A_851] {strides = array<i32>} : memref<8192xi32, #tpu.memory_space<vmem>>, vector<16xi32>,
        %parallel_loop3A_853 = arith.constant 65535 : i32
        %parallel_loop3A_854 = vector.broadcast %parallel_loop3A_853 : i32 to vector<16xi32>
        %parallel_loop3A_855 = arith.andi %parallel_loop3A_852, %parallel_loop3A_854 : vector<16xi32>
        %parallel_loop3A_856 = arith.constant 16 : i32
        %parallel_loop3A_857 = vector.broadcast %parallel_loop3A_856 : i32 to vector<16xi32>
        %parallel_loop3A_858 = arith.shrui %parallel_loop3A_852, %parallel_loop3A_857 : vector<16xi32>
        %parallel_loop3A_859 = arith.constant 16 : i32
        %parallel_loop3A_860 = arith.divsi %parallel_loop3A_848, %parallel_loop3A_859 : i32
        %parallel_loop3A_861 = arith.constant 0 : i32
        %parallel_loop3A_862 = arith.cmpi sgt, %parallel_loop3A_848, %parallel_loop3A_861 : i32
        %parallel_loop3A_863 = arith.extui %parallel_loop3A_862 : i1 to i32
        %parallel_loop3A_864 = arith.constant 0 : i32
        %parallel_loop3A_865 = arith.cmpi slt, %parallel_loop3A_848, %parallel_loop3A_864 : i32
        %parallel_loop3A_866 = arith.extui %parallel_loop3A_865 : i1 to i32
        %parallel_loop3A_867 = arith.subi %parallel_loop3A_863, %parallel_loop3A_866 : i32
        %parallel_loop3A_868 = arith.constant 0 : i32
        %parallel_loop3A_869 = arith.cmpi sgt, %parallel_loop3A_859, %parallel_loop3A_868 : i32
        %parallel_loop3A_870 = arith.extui %parallel_loop3A_869 : i1 to i32
        %parallel_loop3A_871 = arith.constant 0 : i32
        %parallel_loop3A_872 = arith.cmpi slt, %parallel_loop3A_859, %parallel_loop3A_871 : i32
        %parallel_loop3A_873 = arith.extui %parallel_loop3A_872 : i1 to i32
        %parallel_loop3A_874 = arith.subi %parallel_loop3A_870, %parallel_loop3A_873 : i32
        %parallel_loop3A_875 = arith.cmpi ne, %parallel_loop3A_867, %parallel_loop3A_874 : i32
        %parallel_loop3A_876 = arith.remsi %parallel_loop3A_848, %parallel_loop3A_859 : i32
        %parallel_loop3A_877 = arith.constant 0 : i32
        %parallel_loop3A_878 = arith.cmpi ne, %parallel_loop3A_876, %parallel_loop3A_877 : i32
        %parallel_loop3A_879 = arith.andi %parallel_loop3A_875, %parallel_loop3A_878 : i1
        %parallel_loop3A_880 = arith.constant 1 : i32
        %parallel_loop3A_881 = arith.subi %parallel_loop3A_860, %parallel_loop3A_880 : i32
        %parallel_loop3A_882 = arith.select %parallel_loop3A_879, %parallel_loop3A_881, %parallel_loop3A_860 : i32
        %parallel_loop3A_883 = arith.constant 16 : i32
        %parallel_loop3A_884 = arith.constant 0 : i32
        %parallel_loop3A_885 = arith.cmpi eq, %parallel_loop3A_883, %parallel_loop3A_884 : i32
        %parallel_loop3A_886 = arith.constant 1 : i32
        %parallel_loop3A_887 = arith.select %parallel_loop3A_885, %parallel_loop3A_886, %parallel_loop3A_883 : i32
        %parallel_loop3A_888 = arith.remsi %parallel_loop3A_848, %parallel_loop3A_887 : i32
        %parallel_loop3A_889 = arith.constant 0 : i32
        %parallel_loop3A_890 = arith.cmpi ne, %parallel_loop3A_888, %parallel_loop3A_889 : i32
        %parallel_loop3A_891 = arith.constant 0 : i32
        %parallel_loop3A_892 = arith.cmpi slt, %parallel_loop3A_888, %parallel_loop3A_891 : i32
        %parallel_loop3A_893 = arith.constant 0 : i32
        %parallel_loop3A_894 = arith.cmpi slt, %parallel_loop3A_887, %parallel_loop3A_893 : i32
        %parallel_loop3A_895 = arith.xori %parallel_loop3A_892, %parallel_loop3A_894 : i1
        %parallel_loop3A_896 = arith.andi %parallel_loop3A_895, %parallel_loop3A_890 : i1
        %parallel_loop3A_897 = arith.addi %parallel_loop3A_888, %parallel_loop3A_887 : i32
        %parallel_loop3A_898 = arith.select %parallel_loop3A_896, %parallel_loop3A_897, %parallel_loop3A_888 : i32
        %parallel_loop3A_899 = arith.constant 32 : i32
        %parallel_loop3A_900 = arith.muli %parallel_loop3A_898, %parallel_loop3A_899 : i32
        %parallel_loop3A_901 = tpu.vector_load_idx %arg7[%parallel_loop3A_855] : memref<17920xf32, #tpu.memory_space<vmem>>[vector<16xi32>], vector<16xf32>,
        %parallel_loop3A_902 = arith.index_cast %parallel_loop3A_882 : i32 to index
        %parallel_loop3A_903 = arith.index_cast %parallel_loop3A_900 : i32 to index
        %parallel_loop3A_904 = tpu.vector_load %arg9[%parallel_loop3A_902, %parallel_loop3A_903] {strides = array<i32>} : memref<32x512xf32, #tpu.memory_space<vmem>>, vector<16xf32>,
        tpu.vector_store %arg9[%parallel_loop3A_902, %parallel_loop3A_903], %parallel_loop3A_901 {strides = array<i32>} : memref<32x512xf32, #tpu.memory_space<vmem>>, vector<16xf32>,
        %parallel_loop3A_905 = tpu.vector_load_idx %arg7[%parallel_loop3A_858] : memref<17920xf32, #tpu.memory_space<vmem>>[vector<16xi32>], vector<16xf32>,
        %parallel_loop3A_906 = arith.constant 16 : i32
        %parallel_loop3A_907 = arith.addi %parallel_loop3A_900, %parallel_loop3A_906 : i32
        %parallel_loop3A_908 = arith.index_cast %parallel_loop3A_882 : i32 to index
        %parallel_loop3A_909 = arith.index_cast %parallel_loop3A_907 : i32 to index
        %parallel_loop3A_910 = tpu.vector_load %arg9[%parallel_loop3A_908, %parallel_loop3A_909] {strides = array<i32>} : memref<32x512xf32, #tpu.memory_space<vmem>>, vector<16xf32>,
        tpu.vector_store %arg9[%parallel_loop3A_908, %parallel_loop3A_909], %parallel_loop3A_905 {strides = array<i32>} : memref<32x512xf32, #tpu.memory_space<vmem>>, vector<16xf32>,
      } {sc.loop_unroll_factor = 8 : i64, sc.parallel_access}
      %mul3A_837 = arith.constant 2 : i32
      %mul3A_838 = arith.muli %add3A_577, %mul3A_837 : i32
      %add3A_839 = arith.addi %mul3A_838, %select_n3A_30 : i32
      %mul3A_840 = arith.constant 32 : i32
      %mul3A_841 = arith.muli %select_n3A_9, %mul3A_840 : i32
      %dma_start3A_842 = arith.constant 0 : i32
      %dma_start3A_843 = tpu.memref_slice %arg4[%add3A_839, %mul3A_841, %dma_start3A_842] : memref<384x512x512xf32, #tpu.memory_space<hbm>> -> memref<1x32x512xf32, #tpu.memory_space<hbm>>
      %dma_start3A_844 = tpu.memref_squeeze %dma_start3A_843 : memref<1x32x512xf32, #tpu.memory_space<hbm>> -> memref<32x512xf32, #tpu.memory_space<hbm>>
      %dma_start3A_845 = arith.constant 0 : i32
      %dma_start3A_846 = tpu.memref_slice %arg4[%add3A_839, %mul3A_841, %dma_start3A_845] : memref<384x512x512xf32, #tpu.memory_space<hbm>> -> memref<1x32x512xf32, #tpu.memory_space<hbm>>
      %dma_start3A_847 = tpu.memref_squeeze %dma_start3A_846 : memref<1x32x512xf32, #tpu.memory_space<hbm>> -> memref<32x512xf32, #tpu.memory_space<hbm>>
      tpu.enqueue_dma source(%arg9 : memref<32x512xf32, #tpu.memory_space<vmem>>) target(%dma_start3A_847 : memref<32x512xf32, #tpu.memory_space<hbm>>) target_semaphore(%arg13 : memref<!tpu.dma_semaphore, #tpu.memory_space<semaphore_mem>>)
    }
    %scan3A_281 = arith.constant 96 : i32
    %dma_wait3A = arith.constant 0 : i32
    %dma_wait3A_282 = tpu.memref_slice %arg2[%dma_wait3A] : memref<110100480xf32, #tpu.memory_space<hbm>> -> memref<17920xf32, #tpu.memory_space<hbm>>
    %dma_wait3A_283 = arith.constant 0 : i32
    %dma_wait3A_284 = tpu.memref_slice %arg2[%dma_wait3A_283] : memref<110100480xf32, #tpu.memory_space<hbm>> -> memref<17920xf32, #tpu.memory_space<hbm>>
    tpu.wait_dma2 semaphore(%arg10 : memref<!tpu.dma_semaphore, #tpu.memory_space<semaphore_mem>>) src(%dma_wait3A_284 : memref<17920xf32, #tpu.memory_space<hbm>>) dst(%arg6 : memref<17920xf32, #tpu.memory_space<vmem>>)
    %dma_wait3A_285 = arith.constant 0 : i32
    %dma_wait3A_286 = arith.constant 0 : i32
    %dma_wait3A_287 = arith.constant 0 : i32
    %dma_wait3A_288 = tpu.memref_slice %arg4[%dma_wait3A_285, %dma_wait3A_286, %dma_wait3A_287] : memref<384x512x512xf32, #tpu.memory_space<hbm>> -> memref<1x32x512xf32, #tpu.memory_space<hbm>>
    %dma_wait3A_289 = tpu.memref_squeeze %dma_wait3A_288 : memref<1x32x512xf32, #tpu.memory_space<hbm>> -> memref<32x512xf32, #tpu.memory_space<hbm>>
    %dma_wait3A_290 = arith.constant 0 : i32
    %dma_wait3A_291 = arith.constant 0 : i32
    %dma_wait3A_292 = tpu.memref_slice %arg4[%dma_wait3A_285, %dma_wait3A_290, %dma_wait3A_291] : memref<384x512x512xf32, #tpu.memory_space<hbm>> -> memref<1x32x512xf32, #tpu.memory_space<hbm>>
    %dma_wait3A_293 = tpu.memref_squeeze %dma_wait3A_292 : memref<1x32x512xf32, #tpu.memory_space<hbm>> -> memref<32x512xf32, #tpu.memory_space<hbm>>
    tpu.wait_dma2 semaphore(%arg12 : memref<!tpu.dma_semaphore, #tpu.memory_space<semaphore_mem>>) src(%arg8 : memref<32x512xf32, #tpu.memory_space<vmem>>) dst(%dma_wait3A_293 : memref<32x512xf32, #tpu.memory_space<hbm>>)
    %dma_wait3A_294 = arith.constant 0 : i32
    %dma_wait3A_295 = arith.constant 0 : i32
    %dma_wait3A_296 = arith.constant 0 : i32
    %dma_wait3A_297 = tpu.memref_slice %arg4[%dma_wait3A_294, %dma_wait3A_295, %dma_wait3A_296] : memref<384x512x512xf32, #tpu.memory_space<hbm>> -> memref<1x32x512xf32, #tpu.memory_space<hbm>>
    %dma_wait3A_298 = tpu.memref_squeeze %dma_wait3A_297 : memref<1x32x512xf32, #tpu.memory_space<hbm>> -> memref<32x512xf32, #tpu.memory_space<hbm>>
    %dma_wait3A_299 = arith.constant 0 : i32
    %dma_wait3A_300 = arith.constant 0 : i32
    %dma_wait3A_301 = tpu.memref_slice %arg4[%dma_wait3A_294, %dma_wait3A_299, %dma_wait3A_300] : memref<384x512x512xf32, #tpu.memory_space<hbm>> -> memref<1x32x512xf32, #tpu.memory_space<hbm>>
    %dma_wait3A_302 = tpu.memref_squeeze %dma_wait3A_301 : memref<1x32x512xf32, #tpu.memory_space<hbm>> -> memref<32x512xf32, #tpu.memory_space<hbm>>
    tpu.wait_dma2 semaphore(%arg13 : memref<!tpu.dma_semaphore, #tpu.memory_space<semaphore_mem>>) src(%arg9 : memref<32x512xf32, #tpu.memory_space<vmem>>) dst(%dma_wait3A_302 : memref<32x512xf32, #tpu.memory_space<hbm>>)
    return
  }
}

</mosaic_0001>

<sc_bundles>
// kernel: kernel.4.cloned.1.call-start
scs
__scs_entry_jumppad:
0x0: {  	(pc) =	sbr.rel $0x88, $3  }
0x1: {  	(tag) =	ssettag $0x0;
	lr =	simm.s32 $0x1  }
0x2: {  	[smem:$0x3FA0] =	sst lr;
	_ =	strace $0xD0000000  }
0x3: {  	_ = 	snop  }
0x4: {  	_ = 	snop  }
0x5: {  	_ = 	snop  }
0x6: {  	_ = 	snop  }
0x7: {  	_ = 	snop  }
__scs_overlays_trampoline_lowered:
0x8: {  	[smem:$0x3FAF] =	sst s0  }
0x9: {  	[smem:$0x3FB0] =	sst s1  }
0xa: {  	[smem:$0x3FB1] =	sst s2  }
0xb: {  	[smem:$0x3FB2] =	sst s3  }
0xc: {  	[smem:$0x3FB3] =	sst s4  }
0xd: {  	[smem:$0x3FB4] =	sst s5  }
0xe: {  	[smem:$0x3FB5] =	sst s6  }
0xf: {  	[smem:$0x3FB6] =	sst s7  }
0x10: {  	[smem:$0x3FB7] =	sst s8  }
0x11: {  	[smem:$0x3FB8] =	sst s9;
	s0 =	simm.s32 @!p0 $0x0  }
0x12: {  	s1 =	sld [smem:$0x3F9E];
	s0 =	simm.s32 @p0 $0x1  }
0x13: {  	[smem:$0x3FB9] =	sst s0;
	s0 =	simm.s32 @!p1 $0x0  }
0x14: {  	s2 =	sld [smem:$0x3F9D];
	s0 =	simm.s32 @p1 $0x1  }
0x15: {  	[smem:$0x3FBA] =	sst s0;
	s0 =	simm.s32 @!p2 $0x0  }
0x16: {  	s3 =	sld [smem:$0x3FDB];
	s0 =	simm.s32 @p2 $0x1  }
0x17: {  	s4 =	simm.s32 $0x1BF5;
	[smem:$0x3FBC] =	sst s0  }
0x18: {  	s0 =	sld [smem:$0x3F9F];
	_ =	swait.ge [sflag:s4], $0x0  }
0x19: {  	s7 =	sld [smem:$0x3FA0]  }
0x1a: {  	s8 =	sadd.s32 $0xFFFFE003, lr  }
0x1b: {  	s9 =	sadd.s32 $0xFFFFFEF7, lr;
	s5 =	simm.s32 $0xFFFFFFFF;
	p2 =	slt.u32 s8, $0xFFFFF086  }
0x1c: {  	p1 =	slt.u32 s9, $0xF7A;
	s5 =	simm.s32 @!p2 $0x0  }
0x1d: {  	s5 =	simm.s32 @p1 $0x1;
	p0 =	seq.s32 s7, s2  }
0x1e: {  	s7 =	smul.u32 @!p0 $0xF7A, s2;
	p2 =	seq.s32 @!p0 s5, $0x0  }
0x1f: {  	s9 =	smul.u32 $0xF7A, s1;
	s8 =	simm.s32 @!p0 $0x1BF5;
	p2 =	por !p2, p0  }
0x20: {  	[sflag:s8] =	ssyncset.s32 @!p0 $0xFFFFF086;
	s6 =	sadd.s32 @!p0 s3, s7;
	s7 =	simm.s32 @!p0 $0x108  }
0x21: {  	s3 =	sadd.s32 s3, s9;
	s6 =	sadd.s32 @!p0 $0x88, s6;
	s7 =	simm.s32 @p2 $0x1082  }
0x22: {  	[simem:s7], [sflag:s8] =	dma.local @!p0 [hbm:s6], $0xF7A  }
0x23: {  	s9 =	sor.u32 $0xD0000000, s2;
	s6 =	simm.s32 $0x108;
	_ =	swait.ge @!p0 [sflag:s8], $0x0  }
0x24: {  	s3 =	sadd.s32 $0x88, s3;
	s6 =	simm.s32 @!p1 $0x1082;
	[sflag:s4] =	ssyncset.s32 $0xFFFFF086  }
0x25: {  	[simem:s6], [sflag:s4] =	dma.local [hbm:s3], $0xF7A  }
0x26: {  	[smem:$0x3FA0] =	sst s1;
	(tag) =	ssettag s2;
	_ =	strace s9  }
0x27: {  	s1 =	sld [smem:$0x3FB0]  }
0x28: {  	s2 =	sld [smem:$0x3FB1]  }
0x29: {  	s4 =	sld [smem:$0x3FB3]  }
0x2a: {  	p0 =	seq.s32 s5, $0x0;
	s5 =	sld [smem:$0x3FB4]  }
0x2b: {  	s6 =	sld [smem:$0x3FB5]  }
0x2c: {  	s7 =	sld [smem:$0x3FB6]  }
0x2d: {  	s3 =	simm.s32 $0x108;
	s8 =	sld [smem:$0x3FB7]  }
0x2e: {  	s3 =	simm.s32 @!p0 $0x1082;
	s9 =	sld [smem:$0x3FB8]  }
0x2f: {  	lr =	sadd.s32 s0, s3;
	s0 =	sld [smem:$0x3FAF]  }
0x30: {  	s3 =	sld [smem:$0x3FB2]  }
0x31: {  	[smem:$0x3FBB] =	sst s10  }
0x32: {  	s10 =	sld [smem:$0x3FB9];
	_ =	sdelay $0x3  }
0x33: {  	p0 =	seq.s32 s10, $0x1;
	s10 =	sld [smem:$0x3FBB];
	_ =	sdelay $0x3  }
0x34: {  	[smem:$0x3FBB] =	sst s10  }
0x35: {  	s10 =	sld [smem:$0x3FBA];
	_ =	sdelay $0x3  }
0x36: {  	p1 =	seq.s32 s10, $0x1;
	s10 =	sld [smem:$0x3FBB];
	_ =	sdelay $0x3  }
0x37: {  	[smem:$0x3FBB] =	sst s10  }
0x38: {  	s10 =	sld [smem:$0x3FBC]  }
0x39: {  	_ = 	snop;
	(pc) =	sbr.ind lr, $3  }
0x3a: {  	_ = 	snop  }
0x3b: {  	_ = 	snop  }
0x3c: {  	p2 =	seq.s32 s10, $0x1;
	s10 =	sld [smem:$0x3FBB]  }
0x3d: {  	_ =	shalt  }
0x3e: {  	_ =	shalt  }
0x3f: {  	_ =	shalt  }
0x40: {  	_ =	shalt  }
0x41: {  	_ =	shalt  }
0x42: {  	_ =	shalt  }
0x43: {  	_ =	shalt  }
0x44: {  	_ =	shalt  }
0x45: {  	_ =	shalt  }
0x46: {  	_ =	shalt  }
0x47: {  	_ =	shalt  }
0x48: {  	_ =	shalt  }
0x49: {  	_ =	shalt  }
0x4a: {  	_ =	shalt  }
0x4b: {  	_ =	shalt  }
0x4c: {  	_ =	shalt  }
0x4d: {  	_ =	shalt  }
0x4e: {  	_ =	shalt  }
0x4f: {  	_ =	shalt  }
0x50: {  	_ =	shalt  }
0x51: {  	_ =	shalt  }
0x52: {  	_ =	shalt  }
0x53: {  	_ =	shalt  }
0x54: {  	_ =	shalt  }
0x55: {  	_ =	shalt  }
0x56: {  	_ =	shalt  }
0x57: {  	_ =	shalt  }
0x58: {  	_ =	shalt  }
0x59: {  	_ =	shalt  }
0x5a: {  	_ =	shalt  }
0x5b: {  	_ =	shalt  }
0x5c: {  	_ =	shalt  }
0x5d: {  	_ =	shalt  }
0x5e: {  	_ =	shalt  }
0x5f: {  	_ =	shalt  }
0x60: {  	_ =	shalt  }
0x61: {  	_ =	shalt  }
0x62: {  	_ =	shalt  }
0x63: {  	_ =	shalt  }
0x64: {  	_ =	shalt  }
0x65: {  	_ =	shalt  }
0x66: {  	_ =	shalt  }
0x67: {  	_ =	shalt  }
0x68: {  	_ =	shalt  }
0x69: {  	_ =	shalt  }
0x6a: {  	_ =	shalt  }
0x6b: {  	_ =	shalt  }
0x6c: {  	_ =	shalt  }
0x6d: {  	_ =	shalt  }
0x6e: {  	_ =	shalt  }
0x6f: {  	_ =	shalt  }
0x70: {  	_ =	shalt  }
0x71: {  	_ =	shalt  }
0x72: {  	_ =	shalt  }
0x73: {  	_ =	shalt  }
0x74: {  	_ =	shalt  }
0x75: {  	_ =	shalt  }
0x76: {  	_ =	shalt  }
0x77: {  	_ =	shalt  }
0x78: {  	_ =	shalt  }
0x79: {  	_ =	shalt  }
0x7a: {  	_ =	shalt  }
0x7b: {  	_ =	shalt  }
0x7c: {  	_ =	shalt  }
0x7d: {  	_ =	shalt  }
0x7e: {  	_ =	shalt  }
0x7f: {  	_ =	shalt  }
0x80: {  	_ =	shalt  }
0x81: {  	_ =	shalt  }
0x82: {  	_ =	shalt  }
0x83: {  	_ =	shalt  }
0x84: {  	_ =	shalt  }
0x85: {  	_ =	shalt  }
0x86: {  	_ =	shalt  }
0x87: {  	_ =	shalt  }
.Lfunc_end0:
.L_simem_size_0:
called_computation_lowered:
.L_overlay_start_0:
0x88: {  	s2 =	sld [smem:$0x3FD9]  }
0x89: {  	s3 =	sld [smem:$0x3FFE];
	_ =	sdelay $0x1  }
0x8a: {  	s1 =	srdreg.scid  }
0x8b: {  	s0 =	sand.u32 $0x1, s1  }
0x8c: {  	s17 =	sshll.u32 s0, $0xA;
	s2 =	sadd.s32 s3, s2  }
0x8d: {  	s2 =	sadd.s32 s2, s17  }
0x8e: {  	[smem:$0x3FC7] =	sst s2  }
0x8f: {  	_ = 	snop  }
0x90: {  	s2 =	sld [smem:$0x3FC9]  }
0x91: {  	s18 =	sld [smem:$0x3FD0];
	(tm) =	ssettm $0x1  }
0x92: {  	s4 =	sld [smem:$0x3FFB];
	_ =	sdelay $0x3  }
0x93: {  	_ =	strace s4  }
0x94: {  	s4 =	sld [smem:$0x3FFC];
	_ =	sdelay $0x3  }
0x95: {  	_ =	strace s4  }
0x96: {  	s4 =	sld [smem:$0x3FFD];
	_ =	sdelay $0x3  }
0x97: {  	_ =	strace s4  }
0x98: {  	_ =	strace $0x8FFFFFFF  }
0x99: {  	s19 =	sld [smem:$0x3FDB];
	_ =	sdelay $0x1  }
0x9a: {  	s5 =	simm.s32 $_scs_section_size  }
0x9b: {  	s6 =	simm.s32 $_size__tile_overlayer_lowered;
	s7 =	simm.s32 $_tile_overlayer_lowered  }
0x9c: {  	s22 =	simm.s32 $0x1BFF;
	s21 =	sshll.u32 s7, $0x1;
	s4 =	sadd.s32 s5, s19  }
0x9d: {  	s8 =	simm.s32 $0x0;
	s20 =	sshll.u32 s6, $0x1;
	s6 =	sadd.s32 s21, s4  }
0x9e: {  	[timem:s8], [sflag:s22] =	dma.local [hbm:s6], s20  }
0x9f: {  	_ =	swait.ge [sflag:s22], s20  }
0xa0: {  	s5 =	ssub.s32 $0x0, s20;
	[sflag:s22] =	ssyncset.done $0x0  }
0xa1: {  	[sflag:s22] =	ssyncadd.s32 s5;
	_ =	sdelay $0x1  }
0xa2: {  	s23 =	simm.s32 $0x1B8B  }
0xa3: {  	_ =	swait.ge [sflag:s23], $0x1  }
0xa4: {  	[sflag:s23] =	ssyncset.done $0x0  }
0xa5: {  	s25 =	simm.s32 $0x1B8E;
	s24 =	sld [smem:$0x3FFE];
	[sflag:s23] =	ssyncadd.s32 $0xFFFFFFFF  }
0xa6: {  	s26 =	simm.s32 $execute0_lowered;
	[smem:$0x3FD2] =	sst s25  }
0xa7: {  	s6 =	sshll.u32 s26, $0x1;
	_ =	strace $0x80000046;
	[dreg:$0x1] =	wrdreg $0xFFFFFFFF  }
0xa8: {  	s28 =	simm.s32 $_size_execute0_lowered;
	s4 =	sadd.s32 s4, s6;
	[dreg:$0x0] =	wrdreg $0x0  }
0xa9: {  	s6 =	sshll.u32 s28, $0x1;
	[dreg:$0x2] =	wrdreg s4  }
0xaa: {  	[dreg:$0x3] =	wrdreg s6  }
0xab: {  	[dreg:$0x4] =	wrdreg $0xC0  }
0xac: {  	_ =	task [dreg:s8], $0x5FFFF  }
0xad: {  	[dreg:$0x1] =	wrdreg $0xFFFFFFFF  }
0xae: {  	[dreg:$0x0] =	wrdreg $0x60  }
0xaf: {  	[dreg:$0x2] =	wrdreg s2  }
0xb0: {  	[dreg:$0x3] =	wrdreg s18  }
0xb1: {  	[dreg:$0x4] =	wrdreg s24  }
0xb2: {  	[dreg:$0x5] =	wrdreg $0x9  }
0xb3: {  	_ =	task.clear_ibuf [dreg:s8], $0x6FFFF;
	_ =	strace $0x90000046  }
0xb4: {  	s29 =	simm.s32 $0x9;
	_ =	strace $0x80000048  }
0xb5: {  	_ =	swait.ge [sflag:s29], $0x1  }
0xb6: {  	[sflag:s29] =	ssyncadd.s32 $0xFFFFFFFF  }
0xb7: {  	_ =	strace $0x90000048  }
0xb8: {  	_ =	sfence  }
0xb9: {  	s30 =	sld [smem:$0x0];
	_ =	sdelay $0x2  }
0xba: {  	s31 =	sshll.u32 s1, $0xD;
	s1 =	sshrl.u32 s1, $0x2  }
0xbb: {  	s3 =	sand.u32 $0x4000, s31;
	s1 =	sadd.s32 s1, s30  }
0xbc: {  	s0 =	sor.u32 s3, s0;
	s1 =	sshll.u32 s1, $0x11  }
0xbd: {  	s0 =	sor.u32 s1, s0  }
0xbe: {  	s0 =	sadd.s32 $0x8F2B, s0  }
0xbf: {  	[sflag:s0] =	ssyncadd.remote.s32 $0x1  }
0xc0: {  	_ =	sfence.sel $0xFFFF  }
0xc1: {  	[dreg:$0x0] =	wrdreg $0xFFFFFFFF;
	(pc) =	sbr.abs _section_cstart, $3  }
0xc2: {  	[dreg:$0x1] =	wrdreg $0xFFFFFFFF  }
0xc3: {  	_ =	task.clear_ibuf [dreg:s8], $0x2FFFF;
	_ =	strace $0x9FFFFFFF  }
0xc4: {  	(tm) =	ssettm $0x7FFFFFFF  }
0xc5: {  	_ =	shalt  }
tec
execute0_lowered:
.L_overlay_start_1:
0x0: {  	(tag) =	ssettag $0x1  }
0x1: {  	s1 =	rddreg [dreg:$0x0]  }
0x2: {  	s6 =	rddreg [dreg:$0x1]  }
0x3: {  	s4 =	rddreg [dreg:$0x2];
	s3 =	simm.s32 $0x0;
	s2 =	stileid.u32  }
0x4: {  	s5 =	srdreg.scid;
	s13 =	simm.s32 $0x1;
	s14 =	simm.s32 $0x6000  }
0x5: {  	s15 =	simm.s32 $0xA000;
	s16 =	simm.s32 $0x2;
	s17 =	simm.s32 $0xE600  }
0x6: {  	s18 =	simm.s32 $0x3;
	s19 =	simm.s32 $0x4;
	s20 =	simm.s32 $0x0  }
0x7: {  	[smem:$0x7FF] =	sst s3;
	s7 =	sshll.u32 s2, $0x1;
	s5 =	sand.u32 $0x1, s5  }
0x8: {  	s4 =	sadd.s32 $0xA00, s4;
	s9 =	sshrl.u32 s2, $0x3;
	_ =	strace $0x80000047  }
0x9: {  	s7 =	sand.u32 $0xE, s7;
	s28 =	ssub.s32 $0x2, s5;
	s8 =	sshll.u32 s9, $0x12  }
0xa: {  	s31 =	sshll.u32 s9, $0x4;
	s10 =	sor.u32 s5, s7;
	s11 =	sshrl.u32 s28, $0x1  }
0xb: {  	s29 =	sshll.u32 s10, $0xE;
	s12 =	sshll.u32 s10, $0xA;
	s11 =	ssub.s32 s28, s11  }
0xc: {  	s10 =	sor.u32 s10, s31;
	s5 =	sor.u32 s8, s29;
	s6 =	sadd.s32 s6, s12  }
0xd: {  	s9 =	smax.u32 s11, $0x1;
	s11 =	simm.s32 $0x5;
	s30 =	sshrl.u32 s5, $0x3  }
0xe: {  	s12 =	simm.s32 $0x2000;
	s8 =	sor.u32 $0x100000, s5;
	s7 =	sadd.s32 s1, s30  }
.LBB2_1:
0xf: {  	[tilespmem:s3], [sflag:$0x5] =	stream.linear.gather [hbm4b:s6+s3], $0x2000, $0x38;
	[tilespmem:$0x12C00] =	vst v63  }
0x10: {  	_ =	swait.ge [sflag:s11], $0x2000  }
0x11: {  	[sflag:s11] =	ssyncset.done $0x0  }
0x12: {  	s21 =	simm.s32 $0x0;
	[sflag:s11] =	ssyncadd.s32 $0xFFFFE000  }
0x13: {  	[tilespmem:s12], [sflag:$0x1] =	stream.linear.gather [hbm4b:s7+s3], $0x4000, $0x38;
	[tilespmem:$0x12C00] =	vst v63  }
.LBB2_2:
0x14: {  	s22 =	sshllo.u32 s21, $0x1  }
0x15: {  	s23 =	sshll.u32 s22, $0x13  }
0x16: {  	_ =	swait.ge [sflag:s13], $0x4000;
	s23 =	sor.u32 s5, s23  }
0x17: {  	[sflag:s13] =	ssyncset.done $0x0;
	s23 =	sshrl.u32 s23, $0x3  }
0x18: {  	p0 =	seq.s32 s21, $0x0;
	[sflag:s13] =	ssyncadd.s32 $0xFFFFC000;
	s23 =	sadd.s32 s1, s23  }
0x19: {  	[tilespmem:s14], [sflag:$0x2] =	stream.linear.gather [hbm4b:s23+s3], $0x4000, $0x38;
	[tilespmem:$0x12C00] =	vst v63  }
0x1a: {  	s23 =	simm.s32 @!p0 $0x3  }
0x1b: {  	_ =	swait.ge @!p0 [sflag:s23], $0x4600  }
0x1c: {  	[sflag:s23] =	ssyncset.done @!p0 $0x0  }
0x1d: {  	[sflag:s23] =	ssyncadd.s32 @!p0 $0xFFFFBA00;
	s23 =	simm.s32 $0x40  }
0x1e: {  	s25 =	simm.s32 $0x0;
	v0 =	vld [tilespmem:s23+$0x30]  }
0x1f: {  	s24 =	simm.s32 $0x0;
	s25 =	sand.u32 $0x3000, s25;
	v1 =	vld [tilespmem:s23+$0xFFFFFFC0]  }
0x20: {  	s26 =	simm.s32 $0x0;
	s31 =	sand.u32 $0x800, s24;
	s28 =	sadd.s32 $0x2000, s25;
	v2 =	vld [tilespmem:s23+$0xFFFFFFD0]  }
0x21: {  	s26 =	sand.u32 $0x380, s26;
	s25 =	sor.u32 s31, s28;
	v3 =	vld [tilespmem:s23+$0xFFFFFFE0]  }
0x22: {  	s25 =	sor.u32 s26, s25;
	v4 =	vld [tilespmem:s23+$0xFFFFFFF0]  }
0x23: {  	s29 =	sand.u32 $0x2000, s24;
	v5 =	vld [tilespmem:s25+$0x460]  }
0x24: {  	s29 =	sshrl.u32 s29, $0x2;
	v9 =	vld [tilespmem:s23+$0x0]  }
0x25: {  	s28 =	sor.u32 s29, s28;
	v11 =	vld [tilespmem:s23+$0x10];
	v6 =	vand.u32 $0xFFFF, v0  }
0x26: {  	s26 =	sor.u32 s26, s28;
	v12 =	vld [tilespmem:s23+$0x20]  }
0x27: {  	v8 =	vld [tilespmem:s26+$0x0];
	v7 =	vand.u32 $0xFFFF, v1  }
0x28: {  	v13 =	vld [tilespmem:s25+$0x20];
	v10 =	vand.u32 $0xFFFF, v2  }
0x29: {  	v16 =	vld [tilespmem:s25+$0x60];
	v15 =	vand.u32 $0xFFFF, v4  }
0x2a: {  	v14 =	vld [tilespmem:s25+$0x40];
	[tilespmem:v6+s15+$0x0] =	vst.idx.msk $0xffff, v5;
	v6 =	vand.u32 $0xFFFF, v3  }
0x2b: {  	v0 =	vshrl.u32 v0, $0x10;
	v5 =	vld [tilespmem:s25+$0x470]  }
0x2c: {  	v63 =	vld [tilespmem:s25+$0x420];
	v18 =	vand.u32 $0xFFFF, v11;
	[tilespmem:v7+s15+$0x0] =	vst.idx.msk $0xffff, v8  }
0x2d: {  	v17 =	vand.u32 $0xFFFF, v9;
	v7 =	vld [tilespmem:s26+$0x400];
	[tilespmem:v10+s15+$0x0] =	vst.idx.msk $0xffff, v13  }
0x2e: {  	v20 =	vld [tilespmem:s25+$0x440];
	v19 =	vand.u32 $0xFFFF, v12;
	[tilespmem:v15+s15+$0x0] =	vst.idx.msk $0xffff, v16  }
0x2f: {  	v21 =	vshrl.u32 v1, $0x10;
	v22 =	vld [tilespmem:s26+$0x10];
	[tilespmem:v6+s15+$0x0] =	vst.idx.msk $0xffff, v14  }
0x30: {  	v10 =	vld [tilespmem:s25+$0x30];
	[tilespmem:v0+s15+$0x0] =	vst.idx.msk $0xffff, v5;
	v5 =	vshrl.u32 v2, $0x10  }
0x31: {  	[tilespmem:v18+s15+$0x0] =	vst.idx.msk $0xffff, v63;
	v8 =	vld [tilespmem:s25+$0x50];
	v2 =	vshrl.u32 v3, $0x10  }
0x32: {  	[tilespmem:v17+s15+$0x0] =	vst.idx.msk $0xffff, v7;
	v7 =	vld [tilespmem:s25+$0x70];
	v0 =	vshrl.u32 v4, $0x10  }
0x33: {  	[tilespmem:v19+s15+$0x0] =	vst.idx.msk $0xffff, v20;
	v6 =	vld [tilespmem:s26+$0x410];
	v4 =	vshrl.u32 v9, $0x10  }
0x34: {  	s29 =	simm.s32 $0x0;
	s28 =	simm.s32 $0x0;
	v1 =	vshrl.u32 v12, $0x10;
	s26 =	sshll.u32 s21, $0x1;
	v3 =	vshrl.u32 v11, $0x10;
	[tilespmem:v21+s15+$0x0] =	vst.idx.msk $0xffff, v22;
	v9 =	vld [tilespmem:s25+$0x430]  }
.LBB2_3:
0x35: {  	s28 =	sadd.s32 $0x8, s28;
	[tilespmem:v5+s15+$0x0] =	vst.idx.msk $0xffff, v10;
	v5 =	vld [tilespmem:s25+$0x450];
	s24 =	sadd.s32 $0x2000, s24;
	s23 =	sadd.s32 $0x80, s23  }
0x36: {  	s25 =	sand.u32 $0x2000, s24;
	s30 =	sshll.u32 s28, $0x5;
	v10 =	vld [tilespmem:s23+$0x30];
	p1 =	slt.u32 s28, $0x1F8;
	[tilespmem:v2+s15+$0x0] =	vst.idx.msk $0xffff, v8  }
0x37: {  	s29 =	sadd.s32 $0x800, s29;
	v2 =	vld [tilespmem:s23+$0xFFFFFFC0];
	s30 =	sand.u32 $0x3000, s30;
	s25 =	sshrl.u32 s25, $0x2;
	[tilespmem:v0+s15+$0x0] =	vst.idx.msk $0xffff, v7  }
0x38: {  	s31 =	sshll.u32 s28, $0x3;
	s0 =	sand.u32 $0x800, s29;
	s30 =	sadd.s32 $0x2000, s30;
	v0 =	vld [tilespmem:s23+$0xFFFFFFD0];
	[tilespmem:v4+s15+$0x0] =	vst.idx.msk $0xffff, v6  }
0x39: {  	s31 =	sand.u32 $0x380, s31;
	s25 =	sor.u32 s25, s30;
	s0 =	sor.u32 s0, s30;
	v4 =	vld [tilespmem:s23+$0xFFFFFFE0];
	[tilespmem:v3+s15+$0x0] =	vst.idx.msk $0xffff, v9  }
0x3a: {  	s30 =	sor.u32 s31, s25;
	s25 =	sor.u32 s31, s0;
	v3 =	vld [tilespmem:s23+$0xFFFFFFF0];
	[tilespmem:v1+s15+$0x0] =	vst.idx.msk $0xffff, v5  }
0x3b: {  	v1 =	vld [tilespmem:s25+$0x460];
	v6 =	vand.u32 $0xFFFF, v10  }
0x3c: {  	v9 =	vshrl.u32 v2, $0x10;
	v7 =	vand.u32 $0xFFFF, v2;
	v8 =	vld [tilespmem:s23+$0x0]  }
0x3d: {  	v5 =	vshrl.u32 v0, $0x10;
	v11 =	vand.u32 $0xFFFF, v0;
	v12 =	vld [tilespmem:s23+$0x10]  }
0x3e: {  	v2 =	vshrl.u32 v4, $0x10;
	v13 =	vand.u32 $0xFFFF, v4;
	v14 =	vld [tilespmem:s23+$0x20]  }
0x3f: {  	v15 =	vld [tilespmem:s30+$0x0];
	v0 =	vshrl.u32 v3, $0x10;
	v16 =	vand.u32 $0xFFFF, v3  }
0x40: {  	v17 =	vld [tilespmem:s25+$0x20];
	[tilespmem:v6+s15+$0x0] =	vst.idx.msk $0xffff, v1  }
0x41: {  	v4 =	vshrl.u32 v8, $0x10;
	v6 =	vand.u32 $0xFFFF, v8;
	v8 =	vshrl.u32 v10, $0x10;
	v10 =	vld [tilespmem:s25+$0x470]  }
0x42: {  	v18 =	vld [tilespmem:s25+$0x40];
	v3 =	vshrl.u32 v12, $0x10;
	v12 =	vand.u32 $0xFFFF, v12  }
0x43: {  	v19 =	vld [tilespmem:s25+$0x60];
	v1 =	vshrl.u32 v14, $0x10;
	v14 =	vand.u32 $0xFFFF, v14  }
0x44: {  	[tilespmem:v7+s15+$0x0] =	vst.idx.msk $0xffff, v15;
	v7 =	vld [tilespmem:s30+$0x400]  }
0x45: {  	[tilespmem:v11+s15+$0x0] =	vst.idx.msk $0xffff, v17;
	v11 =	vld [tilespmem:s25+$0x420]  }
0x46: {  	v15 =	vld [tilespmem:s25+$0x440];
	[tilespmem:v8+s15+$0x0] =	vst.idx.msk $0xffff, v10  }
0x47: {  	v17 =	vld [tilespmem:s30+$0x10];
	[tilespmem:v13+s15+$0x0] =	vst.idx.msk $0xffff, v18  }
.Ltmp0:
0x48: {  	v10 =	vld [tilespmem:s25+$0x30];
	[tilespmem:v16+s15+$0x0] =	vst.idx.msk $0xffff, v19;
	(pc) =	sbr.rel @p1 .LBB2_3-.Ltmp0, $4  }
0x49: {  	v8 =	vld [tilespmem:s25+$0x50];
	[tilespmem:v6+s15+$0x0] =	vst.idx.msk $0xffff, v7  }
0x4a: {  	v7 =	vld [tilespmem:s25+$0x70];
	[tilespmem:v12+s15+$0x0] =	vst.idx.msk $0xffff, v11  }
0x4b: {  	v6 =	vld [tilespmem:s30+$0x410];
	[tilespmem:v14+s15+$0x0] =	vst.idx.msk $0xffff, v15  }
0x4c: {  	[tilespmem:v9+s15+$0x0] =	vst.idx.msk $0xffff, v17;
	v9 =	vld [tilespmem:s25+$0x430]  }
0x4d: {  	_ =	sdelay $0x3  }
0x4e: {  	[tilespmem:v5+s15+$0x0] =	vst.idx.msk $0xffff, v10;
	v5 =	vld [tilespmem:s25+$0x450]  }
0x4f: {  	s0 =	sshll.u32 s21, $0x6;
	[tilespmem:v2+s15+$0x0] =	vst.idx.msk $0xffff, v8  }
0x50: {  	s0 =	sor.u32 s10, s0;
	[tilespmem:v0+s15+$0x0] =	vst.idx.msk $0xffff, v7  }
0x51: {  	s0 =	smul.u32 $0x8C0, s0;
	[tilespmem:v4+s15+$0x0] =	vst.idx.msk $0xffff, v6  }
0x52: {  	[tilespmem:v3+s15+$0x0] =	vst.idx.msk $0xffff, v9  }
0x53: {  	s24 =	smin.u32 s26, $0xBD;
	s0 =	sadd.s32 s4, s0;
	[tilespmem:v1+s15+$0x0] =	vst.idx.msk $0xffff, v5  }
0x54: {  	[hbm4b:s0+s3] =	stream.linear.scatter [tilespmem:s15], [sflag:$0x3], $0x4600, $0x38;
	[tilespmem:$0x12C00] =	vst v63  }
0x55: {  	s0 =	sshll.u32 s24, $0x13  }
0x56: {  	_ =	swait.ge [sflag:s16], $0x4000;
	s0 =	sadd.s32 s8, s0  }
0x57: {  	[sflag:s16] =	ssyncset.done $0x0;
	s0 =	sshrl.u32 s0, $0x3  }
0x58: {  	[sflag:s16] =	ssyncadd.s32 $0xFFFFC000;
	s0 =	sadd.s32 s1, s0  }
0x59: {  	[tilespmem:s12], [sflag:$0x1] =	stream.linear.gather [hbm4b:s0+s3], $0x4000, $0x38;
	[tilespmem:$0x12C00] =	vst v63  }
0x5a: {  	s0 =	simm.s32 @!p0 $0x4  }
0x5b: {  	_ =	swait.ge @!p0 [sflag:s0], $0x4600  }
0x5c: {  	[sflag:s0] =	ssyncset.done @!p0 $0x0  }
0x5d: {  	s23 =	simm.s32 $0x40;
	[sflag:s0] =	ssyncadd.s32 @!p0 $0xFFFFBA00  }
0x5e: {  	v0 =	vld [tilespmem:s23+$0x30]  }
0x5f: {  	v1 =	vld [tilespmem:s23+$0xFFFFFFC0]  }
0x60: {  	s25 =	simm.s32 $0x0;
	v2 =	vld [tilespmem:s23+$0xFFFFFFD0]  }
0x61: {  	s24 =	simm.s32 $0x0;
	s0 =	sand.u32 $0x3000, s25;
	v3 =	vld [tilespmem:s23+$0xFFFFFFE0]  }
0x62: {  	s26 =	simm.s32 $0x0;
	s29 =	sand.u32 $0x800, s24;
	s0 =	sadd.s32 $0x6000, s0;
	v4 =	vld [tilespmem:s23+$0xFFFFFFF0]  }
0x63: {  	s28 =	sand.u32 $0x380, s26;
	s31 =	sand.u32 $0x2000, s24;
	v9 =	vld [tilespmem:s23+$0x0];
	s30 =	sor.u32 s29, s0  }
0x64: {  	s26 =	sshrl.u32 s31, $0x2;
	v11 =	vld [tilespmem:s23+$0x10];
	s25 =	sor.u32 s28, s30  }
0x65: {  	s0 =	sor.u32 s26, s0;
	v5 =	vld [tilespmem:s25+$0x460];
	v6 =	vand.u32 $0xFFFF, v0  }
0x66: {  	v12 =	vld [tilespmem:s23+$0x20];
	s0 =	sor.u32 s28, s0  }
0x67: {  	v8 =	vld [tilespmem:s0+$0x0];
	v7 =	vand.u32 $0xFFFF, v1  }
0x68: {  	v13 =	vld [tilespmem:s25+$0x20];
	v10 =	vand.u32 $0xFFFF, v2  }
0x69: {  	v16 =	vld [tilespmem:s25+$0x60];
	v15 =	vand.u32 $0xFFFF, v4  }
0x6a: {  	v14 =	vld [tilespmem:s25+$0x40];
	[tilespmem:v6+s17+$0x0] =	vst.idx.msk $0xffff, v5;
	v6 =	vand.u32 $0xFFFF, v3  }
0x6b: {  	v0 =	vshrl.u32 v0, $0x10;
	v5 =	vld [tilespmem:s25+$0x470]  }
0x6c: {  	v63 =	vld [tilespmem:s25+$0x420];
	v18 =	vand.u32 $0xFFFF, v11;
	[tilespmem:v7+s17+$0x0] =	vst.idx.msk $0xffff, v8  }
0x6d: {  	v17 =	vand.u32 $0xFFFF, v9;
	v7 =	vld [tilespmem:s0+$0x400];
	[tilespmem:v10+s17+$0x0] =	vst.idx.msk $0xffff, v13  }
0x6e: {  	v20 =	vld [tilespmem:s25+$0x440];
	v19 =	vand.u32 $0xFFFF, v12;
	[tilespmem:v15+s17+$0x0] =	vst.idx.msk $0xffff, v16  }
0x6f: {  	v21 =	vshrl.u32 v1, $0x10;
	v22 =	vld [tilespmem:s0+$0x10];
	[tilespmem:v6+s17+$0x0] =	vst.idx.msk $0xffff, v14  }
0x70: {  	v10 =	vld [tilespmem:s25+$0x30];
	[tilespmem:v0+s17+$0x0] =	vst.idx.msk $0xffff, v5;
	v5 =	vshrl.u32 v2, $0x10  }
0x71: {  	[tilespmem:v18+s17+$0x0] =	vst.idx.msk $0xffff, v63;
	v3 =	vshrl.u32 v3, $0x10;
	v8 =	vld [tilespmem:s25+$0x50]  }
0x72: {  	v1 =	vshrl.u32 v4, $0x10;
	[tilespmem:v17+s17+$0x0] =	vst.idx.msk $0xffff, v7;
	v7 =	vld [tilespmem:s25+$0x70]  }
0x73: {  	v4 =	vshrl.u32 v9, $0x10;
	[tilespmem:v19+s17+$0x0] =	vst.idx.msk $0xffff, v20;
	v6 =	vld [tilespmem:s0+$0x410]  }
0x74: {  	s26 =	simm.s32 $0x0;
	s28 =	simm.s32 $0x0;
	v9 =	vld [tilespmem:s25+$0x430];
	v2 =	vshrl.u32 v11, $0x10;
	v0 =	vshrl.u32 v12, $0x10;
	[tilespmem:v21+s17+$0x0] =	vst.idx.msk $0xffff, v22  }
.LBB2_5:
0x75: {  	s26 =	sadd.s32 $0x8, s26;
	[tilespmem:v5+s17+$0x0] =	vst.idx.msk $0xffff, v10;
	v5 =	vld [tilespmem:s25+$0x450];
	s24 =	sadd.s32 $0x2000, s24;
	s23 =	sadd.s32 $0x80, s23  }
0x76: {  	s0 =	sand.u32 $0x2000, s24;
	s25 =	sshll.u32 s26, $0x5;
	v10 =	vld [tilespmem:s23+$0x30];
	p0 =	slt.u32 s26, $0x1F8;
	[tilespmem:v3+s17+$0x0] =	vst.idx.msk $0xffff, v8  }
0x77: {  	s28 =	sadd.s32 $0x800, s28;
	v3 =	vld [tilespmem:s23+$0xFFFFFFC0];
	s25 =	sand.u32 $0x3000, s25;
	s0 =	sshrl.u32 s0, $0x2;
	[tilespmem:v1+s17+$0x0] =	vst.idx.msk $0xffff, v7  }
0x78: {  	s29 =	sshll.u32 s26, $0x3;
	s30 =	sand.u32 $0x800, s28;
	s25 =	sadd.s32 $0x6000, s25;
	v1 =	vld [tilespmem:s23+$0xFFFFFFD0];
	[tilespmem:v4+s17+$0x0] =	vst.idx.msk $0xffff, v6  }
0x79: {  	s29 =	sand.u32 $0x380, s29;
	s0 =	sor.u32 s0, s25;
	s25 =	sor.u32 s30, s25;
	v4 =	vld [tilespmem:s23+$0xFFFFFFE0];
	[tilespmem:v2+s17+$0x0] =	vst.idx.msk $0xffff, v9  }
0x7a: {  	s0 =	sor.u32 s29, s0;
	s25 =	sor.u32 s29, s25;
	v2 =	vld [tilespmem:s23+$0xFFFFFFF0];
	[tilespmem:v0+s17+$0x0] =	vst.idx.msk $0xffff, v5  }
0x7b: {  	v0 =	vld [tilespmem:s25+$0x460];
	v6 =	vand.u32 $0xFFFF, v10  }
0x7c: {  	v9 =	vshrl.u32 v3, $0x10;
	v7 =	vand.u32 $0xFFFF, v3;
	v8 =	vld [tilespmem:s23+$0x0]  }
0x7d: {  	v5 =	vshrl.u32 v1, $0x10;
	v11 =	vand.u32 $0xFFFF, v1;
	v12 =	vld [tilespmem:s23+$0x10]  }
0x7e: {  	v3 =	vshrl.u32 v4, $0x10;
	v13 =	vand.u32 $0xFFFF, v4;
	v14 =	vld [tilespmem:s23+$0x20]  }
0x7f: {  	v15 =	vld [tilespmem:s0+$0x0];
	v1 =	vshrl.u32 v2, $0x10;
	v16 =	vand.u32 $0xFFFF, v2  }
0x80: {  	v17 =	vld [tilespmem:s25+$0x20];
	[tilespmem:v6+s17+$0x0] =	vst.idx.msk $0xffff, v0  }
0x81: {  	v4 =	vshrl.u32 v8, $0x10;
	v6 =	vand.u32 $0xFFFF, v8;
	v8 =	vshrl.u32 v10, $0x10;
	v10 =	vld [tilespmem:s25+$0x470]  }
0x82: {  	v18 =	vld [tilespmem:s25+$0x40];
	v2 =	vshrl.u32 v12, $0x10;
	v12 =	vand.u32 $0xFFFF, v12  }
0x83: {  	v19 =	vld [tilespmem:s25+$0x60];
	v0 =	vshrl.u32 v14, $0x10;
	v14 =	vand.u32 $0xFFFF, v14  }
0x84: {  	[tilespmem:v7+s17+$0x0] =	vst.idx.msk $0xffff, v15;
	v7 =	vld [tilespmem:s0+$0x400]  }
0x85: {  	[tilespmem:v11+s17+$0x0] =	vst.idx.msk $0xffff, v17;
	v11 =	vld [tilespmem:s25+$0x420]  }
0x86: {  	v15 =	vld [tilespmem:s25+$0x440];
	[tilespmem:v8+s17+$0x0] =	vst.idx.msk $0xffff, v10  }
0x87: {  	v17 =	vld [tilespmem:s0+$0x10];
	[tilespmem:v13+s17+$0x0] =	vst.idx.msk $0xffff, v18  }
.Ltmp1:
0x88: {  	v10 =	vld [tilespmem:s25+$0x30];
	[tilespmem:v16+s17+$0x0] =	vst.idx.msk $0xffff, v19;
	(pc) =	sbr.rel @p0 .LBB2_5-.Ltmp1, $4  }
0x89: {  	v8 =	vld [tilespmem:s25+$0x50];
	[tilespmem:v6+s17+$0x0] =	vst.idx.msk $0xffff, v7  }
0x8a: {  	v7 =	vld [tilespmem:s25+$0x70];
	[tilespmem:v12+s17+$0x0] =	vst.idx.msk $0xffff, v11  }
0x8b: {  	v6 =	vld [tilespmem:s0+$0x410];
	[tilespmem:v14+s17+$0x0] =	vst.idx.msk $0xffff, v15  }
0x8c: {  	[tilespmem:v9+s17+$0x0] =	vst.idx.msk $0xffff, v17;
	v9 =	vld [tilespmem:s25+$0x430]  }
0x8d: {  	_ =	sdelay $0x3  }
0x8e: {  	[tilespmem:v5+s17+$0x0] =	vst.idx.msk $0xffff, v10;
	v63 =	vld [tilespmem:s25+$0x450];
	s21 =	sadd.s32 $0x1, s21  }
0x8f: {  	s0 =	sshll.u32 s22, $0x5;
	[tilespmem:v3+s17+$0x0] =	vst.idx.msk $0xffff, v8;
	p0 =	sne.s32 s21, $0x60  }
.Ltmp2:
0x90: {  	s0 =	sor.u32 s10, s0;
	[tilespmem:v1+s17+$0x0] =	vst.idx.msk $0xffff, v7;
	(pc) =	sbr.rel @p0 .LBB2_2-.Ltmp2, $4  }
0x91: {  	s0 =	smul.u32 $0x8C0, s0;
	[tilespmem:v4+s17+$0x0] =	vst.idx.msk $0xffff, v6  }
0x92: {  	[tilespmem:v2+s17+$0x0] =	vst.idx.msk $0xffff, v9  }
0x93: {  	s0 =	sadd.s32 s4, s0;
	[tilespmem:v0+s17+$0x0] =	vst.idx.msk $0xffff, v63  }
0x94: {  	[hbm4b:s0+s3] =	stream.linear.scatter [tilespmem:s17], [sflag:$0x4], $0x4600, $0x38;
	[tilespmem:$0x12C00] =	vst v63  }
0x95: {  	_ =	swait.ge [sflag:s13], $0x4000  }
0x96: {  	[sflag:s13] =	ssyncset.done $0x0  }
0x97: {  	s20 =	sadd.s32 $0x1, s20;
	[sflag:s13] =	ssyncadd.s32 $0xFFFFC000  }
0x98: {  	p0 =	sne.s32 s20, s9;
	_ =	swait.ge [sflag:s18], $0x4600  }
.Ltmp3:
0x99: {  	[sflag:s18] =	ssyncset.done $0x0;
	(pc) =	sbr.rel @p0 .LBB2_1-.Ltmp3, $4  }
0x9a: {  	[sflag:s18] =	ssyncadd.s32 $0xFFFFBA00  }
0x9b: {  	_ =	swait.ge [sflag:s19], $0x4600  }
0x9c: {  	[sflag:s19] =	ssyncset.done $0x0  }
0x9d: {  	[sflag:s19] =	ssyncadd.s32 $0xFFFFBA00  }
0x9e: {  	_ =	sfence.sel $0x180000  }
0x9f: {  	[bflag:$0x0] =	sbarrier.arrive $0xFFFF  }
0xa0: {  	_ =	strace $0x90000047  }
0xa1: {  	[bflag:$0x2] =	sbarrier.arrive $0xFFFF  }
0xa2: {  	p0 =	sne.s32 s2, $0x0;
	s0 =	rddreg [dreg:$0x3]  }
0xa3: {  	s0 =	sadd.s32 @!p0 $0x100000, s0  }
0xa4: {  	[sflag:s0] =	ssyncadd.tile.s32 @!p0 $0x1;
	_ =	shalt  }
.Lfunc_end2:
_tile_overlayer_lowered:
.L_overlay_start_2:
0xa5: {  	(tag) =	ssettag $0x2  }
0xa6: {  	s0 =	rddreg [dreg:$0x0];
	s2 =	stileid.u32  }
0xa7: {  	s1 =	rddreg [dreg:$0x1];
	p0 =	sne.s32 s2, $0x0  }
0xa8: {  	s3 =	rddreg [dreg:$0x2];
	[bflag:$0x3] =	sbarrier.arrive $0xFFFF;
	s2 =	simm.s32 @!p0 $0x1C05  }
0xa9: {  	[timem:s3], [sflag:s2] =	dma.local @!p0 [hbm:s0], s1  }
0xaa: {  	s0 =	simm.s32 @!p0 $0x5  }
0xab: {  	_ =	swait.ge @!p0 [sflag:s0], s1  }
0xac: {  	s1 =	ssub.s32 @!p0 $0x0, s1;
	[sflag:s0] =	ssyncset.done @!p0 $0x0  }
0xad: {  	[sflag:s0] =	ssyncadd.s32 @!p0 s1  }
0xae: {  	[bflag:$0x3] =	sbarrier.arrive $0xFFFF  }
0xaf: {  	_ =	shalt  }

// kernel: kernel.7.cloned.1.call-start
scs
__scs_entry_jumppad:
0x0: {  	(pc) =	sbr.rel $0x88, $3  }
0x1: {  	(tag) =	ssettag $0x0;
	lr =	simm.s32 $0x1  }
0x2: {  	[smem:$0x3FA0] =	sst lr;
	_ =	strace $0xD0000000  }
0x3: {  	_ = 	snop  }
0x4: {  	_ = 	snop  }
0x5: {  	_ = 	snop  }
0x6: {  	_ = 	snop  }
0x7: {  	_ = 	snop  }
__scs_overlays_trampoline_lowered:
0x8: {  	[smem:$0x3FAF] =	sst s0  }
0x9: {  	[smem:$0x3FB0] =	sst s1  }
0xa: {  	[smem:$0x3FB1] =	sst s2  }
0xb: {  	[smem:$0x3FB2] =	sst s3  }
0xc: {  	[smem:$0x3FB3] =	sst s4  }
0xd: {  	[smem:$0x3FB4] =	sst s5  }
0xe: {  	[smem:$0x3FB5] =	sst s6  }
0xf: {  	[smem:$0x3FB6] =	sst s7  }
0x10: {  	[smem:$0x3FB7] =	sst s8  }
0x11: {  	[smem:$0x3FB8] =	sst s9;
	s0 =	simm.s32 @!p0 $0x0  }
0x12: {  	s1 =	sld [smem:$0x3F9E];
	s0 =	simm.s32 @p0 $0x1  }
0x13: {  	[smem:$0x3FB9] =	sst s0;
	s0 =	simm.s32 @!p1 $0x0  }
0x14: {  	s2 =	sld [smem:$0x3F9D];
	s0 =	simm.s32 @p1 $0x1  }
0x15: {  	[smem:$0x3FBA] =	sst s0;
	s0 =	simm.s32 @!p2 $0x0  }
0x16: {  	s3 =	sld [smem:$0x3FDB];
	s0 =	simm.s32 @p2 $0x1  }
0x17: {  	s4 =	simm.s32 $0x1BF5;
	[smem:$0x3FBC] =	sst s0  }
0x18: {  	s0 =	sld [smem:$0x3F9F];
	_ =	swait.ge [sflag:s4], $0x0  }
0x19: {  	s7 =	sld [smem:$0x3FA0]  }
0x1a: {  	s8 =	sadd.s32 $0xFFFFE003, lr  }
0x1b: {  	s9 =	sadd.s32 $0xFFFFFEF7, lr;
	s5 =	simm.s32 $0xFFFFFFFF;
	p2 =	slt.u32 s8, $0xFFFFF086  }
0x1c: {  	p1 =	slt.u32 s9, $0xF7A;
	s5 =	simm.s32 @!p2 $0x0  }
0x1d: {  	s5 =	simm.s32 @p1 $0x1;
	p0 =	seq.s32 s7, s2  }
0x1e: {  	s7 =	smul.u32 @!p0 $0xF7A, s2;
	p2 =	seq.s32 @!p0 s5, $0x0  }
0x1f: {  	s9 =	smul.u32 $0xF7A, s1;
	s8 =	simm.s32 @!p0 $0x1BF5;
	p2 =	por !p2, p0  }
0x20: {  	[sflag:s8] =	ssyncset.s32 @!p0 $0xFFFFF086;
	s6 =	sadd.s32 @!p0 s3, s7;
	s7 =	simm.s32 @!p0 $0x108  }
0x21: {  	s3 =	sadd.s32 s3, s9;
	s6 =	sadd.s32 @!p0 $0x88, s6;
	s7 =	simm.s32 @p2 $0x1082  }
0x22: {  	[simem:s7], [sflag:s8] =	dma.local @!p0 [hbm:s6], $0xF7A  }
0x23: {  	s9 =	sor.u32 $0xD0000000, s2;
	s6 =	simm.s32 $0x108;
	_ =	swait.ge @!p0 [sflag:s8], $0x0  }
0x24: {  	s3 =	sadd.s32 $0x88, s3;
	s6 =	simm.s32 @!p1 $0x1082;
	[sflag:s4] =	ssyncset.s32 $0xFFFFF086  }
0x25: {  	[simem:s6], [sflag:s4] =	dma.local [hbm:s3], $0xF7A  }
0x26: {  	[smem:$0x3FA0] =	sst s1;
	(tag) =	ssettag s2;
	_ =	strace s9  }
0x27: {  	s1 =	sld [smem:$0x3FB0]  }
0x28: {  	s2 =	sld [smem:$0x3FB1]  }
0x29: {  	s4 =	sld [smem:$0x3FB3]  }
0x2a: {  	p0 =	seq.s32 s5, $0x0;
	s5 =	sld [smem:$0x3FB4]  }
0x2b: {  	s6 =	sld [smem:$0x3FB5]  }
0x2c: {  	s7 =	sld [smem:$0x3FB6]  }
0x2d: {  	s3 =	simm.s32 $0x108;
	s8 =	sld [smem:$0x3FB7]  }
0x2e: {  	s3 =	simm.s32 @!p0 $0x1082;
	s9 =	sld [smem:$0x3FB8]  }
0x2f: {  	lr =	sadd.s32 s0, s3;
	s0 =	sld [smem:$0x3FAF]  }
0x30: {  	s3 =	sld [smem:$0x3FB2]  }
0x31: {  	[smem:$0x3FBB] =	sst s10  }
0x32: {  	s10 =	sld [smem:$0x3FB9];
	_ =	sdelay $0x3  }
0x33: {  	p0 =	seq.s32 s10, $0x1;
	s10 =	sld [smem:$0x3FBB];
	_ =	sdelay $0x3  }
0x34: {  	[smem:$0x3FBB] =	sst s10  }
0x35: {  	s10 =	sld [smem:$0x3FBA];
	_ =	sdelay $0x3  }
0x36: {  	p1 =	seq.s32 s10, $0x1;
	s10 =	sld [smem:$0x3FBB];
	_ =	sdelay $0x3  }
0x37: {  	[smem:$0x3FBB] =	sst s10  }
0x38: {  	s10 =	sld [smem:$0x3FBC]  }
0x39: {  	_ = 	snop;
	(pc) =	sbr.ind lr, $3  }
0x3a: {  	_ = 	snop  }
0x3b: {  	_ = 	snop  }
0x3c: {  	p2 =	seq.s32 s10, $0x1;
	s10 =	sld [smem:$0x3FBB]  }
0x3d: {  	_ =	shalt  }
0x3e: {  	_ =	shalt  }
0x3f: {  	_ =	shalt  }
0x40: {  	_ =	shalt  }
0x41: {  	_ =	shalt  }
0x42: {  	_ =	shalt  }
0x43: {  	_ =	shalt  }
0x44: {  	_ =	shalt  }
0x45: {  	_ =	shalt  }
0x46: {  	_ =	shalt  }
0x47: {  	_ =	shalt  }
0x48: {  	_ =	shalt  }
0x49: {  	_ =	shalt  }
0x4a: {  	_ =	shalt  }
0x4b: {  	_ =	shalt  }
0x4c: {  	_ =	shalt  }
0x4d: {  	_ =	shalt  }
0x4e: {  	_ =	shalt  }
0x4f: {  	_ =	shalt  }
0x50: {  	_ =	shalt  }
0x51: {  	_ =	shalt  }
0x52: {  	_ =	shalt  }
0x53: {  	_ =	shalt  }
0x54: {  	_ =	shalt  }
0x55: {  	_ =	shalt  }
0x56: {  	_ =	shalt  }
0x57: {  	_ =	shalt  }
0x58: {  	_ =	shalt  }
0x59: {  	_ =	shalt  }
0x5a: {  	_ =	shalt  }
0x5b: {  	_ =	shalt  }
0x5c: {  	_ =	shalt  }
0x5d: {  	_ =	shalt  }
0x5e: {  	_ =	shalt  }
0x5f: {  	_ =	shalt  }
0x60: {  	_ =	shalt  }
0x61: {  	_ =	shalt  }
0x62: {  	_ =	shalt  }
0x63: {  	_ =	shalt  }
0x64: {  	_ =	shalt  }
0x65: {  	_ =	shalt  }
0x66: {  	_ =	shalt  }
0x67: {  	_ =	shalt  }
0x68: {  	_ =	shalt  }
0x69: {  	_ =	shalt  }
0x6a: {  	_ =	shalt  }
0x6b: {  	_ =	shalt  }
0x6c: {  	_ =	shalt  }
0x6d: {  	_ =	shalt  }
0x6e: {  	_ =	shalt  }
0x6f: {  	_ =	shalt  }
0x70: {  	_ =	shalt  }
0x71: {  	_ =	shalt  }
0x72: {  	_ =	shalt  }
0x73: {  	_ =	shalt  }
0x74: {  	_ =	shalt  }
0x75: {  	_ =	shalt  }
0x76: {  	_ =	shalt  }
0x77: {  	_ =	shalt  }
0x78: {  	_ =	shalt  }
0x79: {  	_ =	shalt  }
0x7a: {  	_ =	shalt  }
0x7b: {  	_ =	shalt  }
0x7c: {  	_ =	shalt  }
0x7d: {  	_ =	shalt  }
0x7e: {  	_ =	shalt  }
0x7f: {  	_ =	shalt  }
0x80: {  	_ =	shalt  }
0x81: {  	_ =	shalt  }
0x82: {  	_ =	shalt  }
0x83: {  	_ =	shalt  }
0x84: {  	_ =	shalt  }
0x85: {  	_ =	shalt  }
0x86: {  	_ =	shalt  }
0x87: {  	_ =	shalt  }
.Lfunc_end0:
.L_simem_size_0:
called_computation.1_lowered:
.L_overlay_start_0:
0x88: {  	s2 =	sld [smem:$0x3FD9]  }
0x89: {  	s3 =	sld [smem:$0x3FFE];
	_ =	sdelay $0x1  }
0x8a: {  	s1 =	srdreg.scid  }
0x8b: {  	s0 =	sand.u32 $0x1, s1  }
0x8c: {  	s17 =	sshll.u32 s0, $0xA;
	s2 =	sadd.s32 s3, s2  }
0x8d: {  	s2 =	sadd.s32 s2, s17  }
0x8e: {  	[smem:$0x3FC7] =	sst s2  }
0x8f: {  	_ = 	snop  }
0x90: {  	s2 =	sld [smem:$0x3FD0];
	(tm) =	ssettm $0x1  }
0x91: {  	s18 =	sld [smem:$0x3FFB];
	_ =	sdelay $0x3  }
0x92: {  	_ =	strace s18  }
0x93: {  	s3 =	sld [smem:$0x3FFC];
	_ =	sdelay $0x3  }
0x94: {  	_ =	strace s3  }
0x95: {  	s3 =	sld [smem:$0x3FFD];
	_ =	sdelay $0x3  }
0x96: {  	_ =	strace s3  }
0x97: {  	_ =	strace $0x8FFFFFFF  }
0x98: {  	s19 =	sld [smem:$0x3FDB];
	_ =	sdelay $0x1  }
0x99: {  	s4 =	simm.s32 $_scs_section_size  }
0x9a: {  	s5 =	simm.s32 $_size__tile_overlayer_lowered;
	s6 =	simm.s32 $_tile_overlayer_lowered  }
0x9b: {  	s22 =	simm.s32 $0x1BFF;
	s21 =	sshll.u32 s6, $0x1;
	s3 =	sadd.s32 s4, s19  }
0x9c: {  	s7 =	simm.s32 $0x0;
	s20 =	sshll.u32 s5, $0x1;
	s5 =	sadd.s32 s21, s3  }
0x9d: {  	[timem:s7], [sflag:s22] =	dma.local [hbm:s5], s20  }
0x9e: {  	_ =	swait.ge [sflag:s22], s20  }
0x9f: {  	s4 =	ssub.s32 $0x0, s20;
	[sflag:s22] =	ssyncset.done $0x0  }
0xa0: {  	[sflag:s22] =	ssyncadd.s32 s4;
	_ =	sdelay $0x1  }
0xa1: {  	s23 =	simm.s32 $0x1B8B  }
0xa2: {  	_ =	swait.ge [sflag:s23], $0x1  }
0xa3: {  	[sflag:s23] =	ssyncset.done $0x0  }
0xa4: {  	s25 =	simm.s32 $0x1B8E;
	s24 =	sld [smem:$0x3FFE];
	[sflag:s23] =	ssyncadd.s32 $0xFFFFFFFF  }
0xa5: {  	s26 =	simm.s32 $execute0_lowered;
	[smem:$0x3FD2] =	sst s25  }
0xa6: {  	s5 =	sshll.u32 s26, $0x1;
	_ =	strace $0x80000049;
	[dreg:$0x1] =	wrdreg $0xFFFFFFFF  }
0xa7: {  	s28 =	simm.s32 $_size_execute0_lowered;
	s3 =	sadd.s32 s3, s5;
	[dreg:$0x0] =	wrdreg $0x0  }
0xa8: {  	s5 =	sshll.u32 s28, $0x1;
	[dreg:$0x2] =	wrdreg s3  }
0xa9: {  	[dreg:$0x3] =	wrdreg s5  }
0xaa: {  	[dreg:$0x4] =	wrdreg $0xC0  }
0xab: {  	_ =	task [dreg:s7], $0x5FFFF  }
0xac: {  	[dreg:$0x1] =	wrdreg $0xFFFFFFFF  }
0xad: {  	[dreg:$0x0] =	wrdreg $0x60  }
0xae: {  	[dreg:$0x2] =	wrdreg s24  }
0xaf: {  	[dreg:$0x3] =	wrdreg s2  }
0xb0: {  	[dreg:$0x4] =	wrdreg $0x9  }
0xb1: {  	_ =	task.clear_ibuf [dreg:s7], $0x5FFFF;
	_ =	strace $0x90000049  }
0xb2: {  	s29 =	simm.s32 $0x9;
	_ =	strace $0x8000004B  }
0xb3: {  	_ =	swait.ge [sflag:s29], $0x1  }
0xb4: {  	[sflag:s29] =	ssyncadd.s32 $0xFFFFFFFF  }
0xb5: {  	_ =	strace $0x9000004B  }
0xb6: {  	_ =	sfence  }
0xb7: {  	s30 =	sld [smem:$0x0];
	_ =	sdelay $0x2  }
0xb8: {  	s31 =	sshll.u32 s1, $0xD;
	s1 =	sshrl.u32 s1, $0x2  }
0xb9: {  	s3 =	sand.u32 $0x4000, s31;
	s1 =	sadd.s32 s1, s30  }
0xba: {  	s0 =	sor.u32 s3, s0;
	s1 =	sshll.u32 s1, $0x11  }
0xbb: {  	s0 =	sor.u32 s1, s0  }
0xbc: {  	s0 =	sadd.s32 $0x8F2B, s0  }
0xbd: {  	[sflag:s0] =	ssyncadd.remote.s32 $0x1  }
0xbe: {  	_ =	sfence.sel $0xFFFF  }
0xbf: {  	[dreg:$0x0] =	wrdreg $0xFFFFFFFF;
	(pc) =	sbr.abs _section_cstart, $3  }
0xc0: {  	[dreg:$0x1] =	wrdreg $0xFFFFFFFF  }
0xc1: {  	_ =	task.clear_ibuf [dreg:s7], $0x2FFFF;
	_ =	strace $0x9FFFFFFF  }
0xc2: {  	(tm) =	ssettm $0x7FFFFFFF  }
0xc3: {  	_ =	shalt  }
tec
execute0_lowered:
.L_overlay_start_1:
0x0: {  	(tag) =	ssettag $0x1  }
0x1: {  	s0 =	rddreg [dreg:$0x0]  }
0x2: {  	s2 =	rddreg [dreg:$0x1]  }
0x3: {  	s5 =	stileid.u32;
	s3 =	simm.s32 $0x0;
	s1 =	srdreg.scid  }
0x4: {  	s4 =	sshll.u32 s5, $0x1;
	s1 =	sand.u32 $0x1, s1;
	s7 =	sshrl.u32 s5, $0x3  }
0x5: {  	[smem:$0x7FF] =	sst s3;
	s6 =	sadd.s32 $0xA00, s0;
	s4 =	sand.u32 $0xE, s4  }
0x6: {  	s8 =	sshll.u32 s7, $0x8;
	_ =	strace $0x8000004A;
	s4 =	sor.u32 s1, s4  }
0x7: {  	s1 =	ssub.s32 $0x2, s1;
	s5 =	sor.u32 s8, s4;
	s10 =	sshll.u32 s4, $0xA  }
0x8: {  	s11 =	sshrl.u32 s1, $0x1;
	s9 =	smul.u32 $0x460, s5;
	s0 =	sadd.s32 s10, s0  }
0x9: {  	s12 =	smul.u32 $0x8C, s5;
	s1 =	ssub.s32 s1, s11;
	s0 =	sadd.s32 $0xD20A00, s0  }
0xa: {  	s31 =	smax.u32 s1, $0x1;
	s9 =	sshrl.u32 s9, $0x3;
	[dreg:$0x3] =	wrdreg s0  }
0xb: {  	s12 =	sadd.s32 s6, s12;
	[dreg:$0x14] =	wrdreg s31;
	s13 =	sadd.s32 s6, s9  }
0xc: {  	[dreg:$0x4] =	wrdreg s12;
	s9 =	sadd.s32 $0x8C0, s13  }
0xd: {  	s14 =	sadd.s32 $0x1180, s13;
	[dreg:$0x5] =	wrdreg s9  }
0xe: {  	s15 =	sadd.s32 $0x1A40, s13;
	[dreg:$0x6] =	wrdreg s14  }
0xf: {  	s16 =	sadd.s32 $0x2300, s13;
	[dreg:$0x7] =	wrdreg s15  }
0x10: {  	s17 =	sadd.s32 $0x2BC0, s13;
	[dreg:$0x8] =	wrdreg s16  }
0x11: {  	s18 =	sadd.s32 $0x3480, s13;
	[dreg:$0x9] =	wrdreg s17  }
0x12: {  	s19 =	sadd.s32 $0x3D40, s13;
	[dreg:$0xa] =	wrdreg s18  }
0x13: {  	s20 =	sadd.s32 $0x4600, s13;
	[dreg:$0xb] =	wrdreg s19  }
0x14: {  	s21 =	sadd.s32 $0x4EC0, s13;
	[dreg:$0xc] =	wrdreg s20  }
0x15: {  	s29 =	simm.s32 $0x2000;
	s22 =	sadd.s32 $0x5780, s13;
	[dreg:$0xd] =	wrdreg s21  }
0x16: {  	s28 =	simm.s32 $0xEC00;
	s24 =	sadd.s32 $0x6040, s13;
	[dreg:$0xe] =	wrdreg s22  }
0x17: {  	s7 =	sshll.u32 s7, $0x12;
	s25 =	sadd.s32 $0x6900, s13;
	[dreg:$0xf] =	wrdreg s24  }
0x18: {  	s23 =	sshll.u32 s4, $0xE;
	s26 =	sadd.s32 $0x71C0, s13;
	[dreg:$0x10] =	wrdreg s25  }
0x19: {  	s10 =	simm.s32 $0x0;
	s30 =	sadd.s32 $0x7A80, s13;
	[dreg:$0x11] =	wrdreg s26  }
0x1a: {  	s1 =	simm.s32 $0x9EE0;
	s0 =	sadd.s32 $0x8340, s13;
	[dreg:$0x12] =	wrdreg s30  }
0x1b: {  	s21 =	sor.u32 s23, s7;
	[dreg:$0x13] =	wrdreg s0;
	s26 =	sor.u32 $0x400, s8  }
0x1c: {  	s15 =	simm.s32 $0x58E0;
	s16 =	simm.s32 $0x5D40;
	s17 =	simm.s32 $0x61A0  }
0x1d: {  	s18 =	simm.s32 $0x1;
	s19 =	simm.s32 $0x6600;
	s24 =	simm.s32 $0xA340  }
0x1e: {  	s7 =	simm.s32 $0xA7A0;
	s25 =	simm.s32 $0xAC00;
	s8 =	simm.s32 $0x2  }
.LBB2_1:
0x1f: {  	[dreg:$0x15] =	wrdreg s10  }
0x20: {  	s0 =	rddreg [dreg:$0x3];
	s13 =	simm.s32 $0x5  }
0x21: {  	[tilespmem:s3], [sflag:$0x5] =	stream.linear.gather [hbm4b:s0+s3], $0x2000, $0x38;
	[tilespmem:$0x12C00] =	vst v63  }
0x22: {  	_ =	swait.ge [sflag:s13], $0x2000  }
0x23: {  	[sflag:s13] =	ssyncset.done $0x0  }
0x24: {  	s14 =	rddreg [dreg:$0x4];
	[sflag:s13] =	ssyncadd.s32 $0xFFFFE000  }
0x25: {  	[tilespmem:s29], [sflag:$0x1] =	stream.linear.gather [hbm4b:s14+s3], $0x460, $0x38;
	[tilespmem:$0x12C00] =	vst v63  }
0x26: {  	s9 =	simm.s32 $0x2460;
	s20 =	rddreg [dreg:$0x5]  }
0x27: {  	[tilespmem:s9], [sflag:$0x1] =	stream.linear.gather [hbm4b:s20+s3], $0x460, $0x38;
	[tilespmem:$0x12C00] =	vst v63  }
0x28: {  	s23 =	simm.s32 $0x28C0;
	s22 =	rddreg [dreg:$0x6]  }
0x29: {  	[tilespmem:s23], [sflag:$0x1] =	stream.linear.gather [hbm4b:s22+s3], $0x460, $0x38;
	[tilespmem:$0x12C00] =	vst v63  }
0x2a: {  	s31 =	simm.s32 $0x2D20;
	s30 =	rddreg [dreg:$0x7]  }
0x2b: {  	[tilespmem:s31], [sflag:$0x1] =	stream.linear.gather [hbm4b:s30+s3], $0x460, $0x38;
	[tilespmem:$0x12C00] =	vst v63  }
0x2c: {  	s11 =	simm.s32 $0x3180;
	s10 =	rddreg [dreg:$0x8]  }
0x2d: {  	[tilespmem:s11], [sflag:$0x1] =	stream.linear.gather [hbm4b:s10+s3], $0x460, $0x38;
	[tilespmem:$0x12C00] =	vst v63  }
0x2e: {  	s12 =	rddreg [dreg:$0x9];
	s13 =	simm.s32 $0x35E0  }
0x2f: {  	[tilespmem:s13], [sflag:$0x1] =	stream.linear.gather [hbm4b:s12+s3], $0x460, $0x38;
	[tilespmem:$0x12C00] =	vst v63  }
0x30: {  	s14 =	rddreg [dreg:$0xa];
	s20 =	simm.s32 $0x3A40  }
0x31: {  	[tilespmem:s20], [sflag:$0x1] =	stream.linear.gather [hbm4b:s14+s3], $0x460, $0x38;
	[tilespmem:$0x12C00] =	vst v63  }
0x32: {  	s22 =	rddreg [dreg:$0xb];
	s23 =	simm.s32 $0x3EA0  }
0x33: {  	[tilespmem:s23], [sflag:$0x1] =	stream.linear.gather [hbm4b:s22+s3], $0x460, $0x38;
	[tilespmem:$0x12C00] =	vst v63  }
0x34: {  	s30 =	rddreg [dreg:$0xc];
	s31 =	simm.s32 $0x4300  }
0x35: {  	[tilespmem:s31], [sflag:$0x1] =	stream.linear.gather [hbm4b:s30+s3], $0x460, $0x38;
	[tilespmem:$0x12C00] =	vst v63  }
0x36: {  	s9 =	rddreg [dreg:$0xd];
	s10 =	simm.s32 $0x4760  }
0x37: {  	[tilespmem:s10], [sflag:$0x1] =	stream.linear.gather [hbm4b:s9+s3], $0x460, $0x38;
	[tilespmem:$0x12C00] =	vst v63  }
0x38: {  	s11 =	rddreg [dreg:$0xe];
	s12 =	simm.s32 $0x4BC0  }
0x39: {  	[tilespmem:s12], [sflag:$0x1] =	stream.linear.gather [hbm4b:s11+s3], $0x460, $0x38;
	[tilespmem:$0x12C00] =	vst v63  }
0x3a: {  	s13 =	rddreg [dreg:$0xf];
	s14 =	simm.s32 $0x5020  }
0x3b: {  	[tilespmem:s14], [sflag:$0x1] =	stream.linear.gather [hbm4b:s13+s3], $0x460, $0x38;
	[tilespmem:$0x12C00] =	vst v63  }
0x3c: {  	s20 =	rddreg [dreg:$0x10];
	s22 =	simm.s32 $0x5480  }
0x3d: {  	[tilespmem:s22], [sflag:$0x1] =	stream.linear.gather [hbm4b:s20+s3], $0x460, $0x38;
	[tilespmem:$0x12C00] =	vst v63  }
0x3e: {  	s23 =	rddreg [dreg:$0x11]  }
0x3f: {  	[tilespmem:s15], [sflag:$0x1] =	stream.linear.gather [hbm4b:s23+s3], $0x460, $0x38;
	[tilespmem:$0x12C00] =	vst v63  }
0x40: {  	s30 =	rddreg [dreg:$0x12]  }
0x41: {  	[tilespmem:s16], [sflag:$0x1] =	stream.linear.gather [hbm4b:s30+s3], $0x460, $0x38;
	[tilespmem:$0x12C00] =	vst v63  }
0x42: {  	s31 =	rddreg [dreg:$0x13];
	s9 =	simm.s32 $0x0  }
0x43: {  	[tilespmem:s17], [sflag:$0x1] =	stream.linear.gather [hbm4b:s31+s3], $0x460, $0x38;
	[tilespmem:$0x12C00] =	vst v63  }
.LBB2_2:
0x44: {  	s30 =	sshllo.u32 s9, $0x1  }
0x45: {  	s10 =	sshll.u32 s30, $0x9  }
0x46: {  	s10 =	sor.u32 s5, s10  }
0x47: {  	s10 =	smul.u32 $0x460, s10  }
0x48: {  	_ =	swait.ge [sflag:s18], $0x4600  }
0x49: {  	[sflag:s18] =	ssyncset.done $0x0;
	s10 =	sshrl.u32 s10, $0x3  }
0x4a: {  	[sflag:s18] =	ssyncadd.s32 $0xFFFFBA00;
	s10 =	sadd.s32 s6, s10  }
0x4b: {  	[tilespmem:s19], [sflag:$0x2] =	stream.linear.gather [hbm4b:s10+s3], $0x460, $0x38;
	[tilespmem:$0x12C00] =	vst v63  }
0x4c: {  	s0 =	simm.s32 $0x6A60;
	s11 =	sadd.s32 $0x8C0, s10  }
0x4d: {  	[tilespmem:s0], [sflag:$0x2] =	stream.linear.gather [hbm4b:s11+s3], $0x460, $0x38;
	[tilespmem:$0x12C00] =	vst v63  }
0x4e: {  	s23 =	simm.s32 $0x6EC0;
	s22 =	sadd.s32 $0x1180, s10  }
0x4f: {  	[tilespmem:s23], [sflag:$0x2] =	stream.linear.gather [hbm4b:s22+s3], $0x460, $0x38;
	[tilespmem:$0x12C00] =	vst v63  }
0x50: {  	s13 =	simm.s32 $0x7320;
	s12 =	sadd.s32 $0x1A40, s10  }
0x51: {  	[tilespmem:s13], [sflag:$0x2] =	stream.linear.gather [hbm4b:s12+s3], $0x460, $0x38;
	[tilespmem:$0x12C00] =	vst v63  }
0x52: {  	s20 =	simm.s32 $0x7780;
	s14 =	sadd.s32 $0x2300, s10  }
0x53: {  	[tilespmem:s20], [sflag:$0x2] =	stream.linear.gather [hbm4b:s14+s3], $0x460, $0x38;
	[tilespmem:$0x12C00] =	vst v63  }
0x54: {  	s22 =	sadd.s32 $0x2BC0, s10;
	s23 =	simm.s32 $0x7BE0  }
0x55: {  	[tilespmem:s23], [sflag:$0x2] =	stream.linear.gather [hbm4b:s22+s3], $0x460, $0x38;
	[tilespmem:$0x12C00] =	vst v63  }
0x56: {  	s12 =	sadd.s32 $0x3480, s10;
	s13 =	simm.s32 $0x8040  }
0x57: {  	[tilespmem:s13], [sflag:$0x2] =	stream.linear.gather [hbm4b:s12+s3], $0x460, $0x38;
	[tilespmem:$0x12C00] =	vst v63  }
0x58: {  	s14 =	sadd.s32 $0x3D40, s10;
	s20 =	simm.s32 $0x84A0  }
0x59: {  	[tilespmem:s20], [sflag:$0x2] =	stream.linear.gather [hbm4b:s14+s3], $0x460, $0x38;
	[tilespmem:$0x12C00] =	vst v63  }
0x5a: {  	s22 =	sadd.s32 $0x4600, s10;
	s23 =	simm.s32 $0x8900  }
0x5b: {  	[tilespmem:s23], [sflag:$0x2] =	stream.linear.gather [hbm4b:s22+s3], $0x460, $0x38;
	[tilespmem:$0x12C00] =	vst v63  }
0x5c: {  	s12 =	sadd.s32 $0x4EC0, s10;
	s13 =	simm.s32 $0x8D60  }
0x5d: {  	[tilespmem:s13], [sflag:$0x2] =	stream.linear.gather [hbm4b:s12+s3], $0x460, $0x38;
	[tilespmem:$0x12C00] =	vst v63  }
0x5e: {  	s14 =	sadd.s32 $0x5780, s10;
	s20 =	simm.s32 $0x91C0  }
0x5f: {  	[tilespmem:s20], [sflag:$0x2] =	stream.linear.gather [hbm4b:s14+s3], $0x460, $0x38;
	[tilespmem:$0x12C00] =	vst v63  }
0x60: {  	s22 =	sadd.s32 $0x6040, s10;
	s23 =	simm.s32 $0x9620  }
0x61: {  	[tilespmem:s23], [sflag:$0x2] =	stream.linear.gather [hbm4b:s22+s3], $0x460, $0x38;
	[tilespmem:$0x12C00] =	vst v63  }
0x62: {  	s12 =	sadd.s32 $0x6900, s10;
	s13 =	simm.s32 $0x9A80  }
0x63: {  	[tilespmem:s13], [sflag:$0x2] =	stream.linear.gather [hbm4b:s12+s3], $0x460, $0x38;
	[tilespmem:$0x12C00] =	vst v63  }
0x64: {  	s14 =	sadd.s32 $0x71C0, s10  }
0x65: {  	[tilespmem:s1], [sflag:$0x2] =	stream.linear.gather [hbm4b:s14+s3], $0x460, $0x38;
	[tilespmem:$0x12C00] =	vst v63  }
0x66: {  	s20 =	sadd.s32 $0x7A80, s10  }
0x67: {  	[tilespmem:s24], [sflag:$0x2] =	stream.linear.gather [hbm4b:s20+s3], $0x460, $0x38;
	[tilespmem:$0x12C00] =	vst v63  }
0x68: {  	p0 =	seq.s32 s9, $0x0;
	s10 =	sadd.s32 $0x8340, s10  }
0x69: {  	[tilespmem:s7], [sflag:$0x2] =	stream.linear.gather [hbm4b:s10+s3], $0x460, $0x38;
	[tilespmem:$0x12C00] =	vst v63  }
0x6a: {  	s10 =	simm.s32 @!p0 $0x3  }
0x6b: {  	_ =	swait.ge @!p0 [sflag:s10], $0x4000  }
0x6c: {  	[sflag:s10] =	ssyncset.done @!p0 $0x0  }
0x6d: {  	s22 =	simm.s32 $0x40;
	[sflag:s10] =	ssyncadd.s32 @!p0 $0xFFFFC000  }
0x6e: {  	v0 =	vld [tilespmem:s22+$0x30]  }
0x6f: {  	v1 =	vld [tilespmem:s22+$0xFFFFFFC0]  }
0x70: {  	v2 =	vld [tilespmem:s22+$0xFFFFFFD0]  }
0x71: {  	v3 =	vld [tilespmem:s22+$0xFFFFFFE0]  }
0x72: {  	v4 =	vld [tilespmem:s22+$0xFFFFFFF0]  }
0x73: {  	v5 =	vld [tilespmem:s22+$0x0];
	v6 =	vand.u32 $0xFFFF, v0  }
0x74: {  	v8 =	vld [tilespmem:s22+$0x10];
	v7 =	vand.u32 $0xFFFF, v1  }
0x75: {  	v10 =	vld [tilespmem:s22+$0x20];
	v9 =	vand.u32 $0xFFFF, v2  }
0x76: {  	v11 =	vand.u32 $0xFFFF, v3  }
0x77: {  	v12 =	vand.u32 $0xFFFF, v4  }
0x78: {  	v13 =	vand.u32 $0xFFFF, v5;
	v6 =	vld.idx.msk [tilespmem:v6+s29+$0x0], $0xffff  }
0x79: {  	s23 =	simm.s32 $0x0;
	v14 =	vand.u32 $0xFFFF, v8;
	v7 =	vld.idx.msk [tilespmem:v7+s29+$0x0], $0xffff  }
0x7a: {  	s11 =	sand.u32 $0x3000, s23;
	s13 =	simm.s32 $0x0;
	s10 =	simm.s32 $0x0;
	v15 =	vand.u32 $0xFFFF, v10;
	v9 =	vld.idx.msk [tilespmem:v9+s29+$0x0], $0xffff  }
0x7b: {  	s11 =	sadd.s32 $0xAC00, s11;
	s12 =	sand.u32 $0x2000, s10;
	s20 =	sand.u32 $0x800, s10;
	v0 =	vshrl.u32 v0, $0x10;
	v11 =	vld.idx.msk [tilespmem:v11+s29+$0x0], $0xffff  }
0x7c: {  	s13 =	sand.u32 $0x380, s13;
	s12 =	sshrl.u32 s12, $0x2;
	s20 =	sadd.s32 s20, s11;
	v1 =	vshrl.u32 v1, $0x10;
	v12 =	vld.idx.msk [tilespmem:v12+s29+$0x0], $0xffff  }
0x7d: {  	s11 =	sadd.s32 s12, s11;
	s20 =	sor.u32 s13, s20;
	v16 =	vshrl.u32 v2, $0x10;
	v13 =	vld.idx.msk [tilespmem:v13+s29+$0x0], $0xffff  }
0x7e: {  	s13 =	sor.u32 s13, s11;
	v17 =	vshrl.u32 v3, $0x10;
	v14 =	vld.idx.msk [tilespmem:v14+s29+$0x0], $0xffff;
	[tilespmem:s20+$0x460] =	vst v6  }
0x7f: {  	v6 =	vshrl.u32 v4, $0x10;
	[tilespmem:s13+$0x0] =	vst v7;
	v7 =	vshrl.u32 v5, $0x10;
	v5 =	vld.idx.msk [tilespmem:v15+s29+$0x0], $0xffff  }
0x80: {  	[tilespmem:s20+$0x20] =	vst v9;
	v18 =	vld.idx.msk [tilespmem:v0+s29+$0x0], $0xffff  }
0x81: {  	[tilespmem:s20+$0x40] =	vst v11;
	v2 =	vld.idx.msk [tilespmem:v1+s29+$0x0], $0xffff  }
0x82: {  	[tilespmem:s20+$0x60] =	vst v12;
	v3 =	vld.idx.msk [tilespmem:v16+s29+$0x0], $0xffff  }
0x83: {  	[tilespmem:s13+$0x400] =	vst v13;
	v4 =	vld.idx.msk [tilespmem:v17+s29+$0x0], $0xffff  }
0x84: {  	s31 =	simm.s32 $0x0;
	[tilespmem:s20+$0x420] =	vst v14;
	v6 =	vld.idx.msk [tilespmem:v6+s29+$0x0], $0xffff  }
0x85: {  	s22 =	simm.s32 $0x0;
	s12 =	simm.s32 $0xC0;
	s11 =	sshll.u32 s9, $0x1;
	v0 =	vshrl.u32 v8, $0x10;
	v1 =	vshrl.u32 v10, $0x10;
	v7 =	vld.idx.msk [tilespmem:v7+s29+$0x0], $0xffff;
	[tilespmem:s20+$0x470] =	vst v18  }
.LBB2_3:
0x86: {  	v8 =	vld [tilespmem:s12+$0x30];
	[tilespmem:s20+$0x440] =	vst v5  }
0x87: {  	v5 =	vld [tilespmem:s12+$0xFFFFFFC0];
	[tilespmem:s13+$0x10] =	vst v2  }
0x88: {  	v2 =	vld [tilespmem:s12+$0xFFFFFFD0];
	[tilespmem:s20+$0x30] =	vst v3  }
0x89: {  	v3 =	vld [tilespmem:s12+$0xFFFFFFE0];
	[tilespmem:s20+$0x50] =	vst v4  }
0x8a: {  	v4 =	vld [tilespmem:s12+$0xFFFFFFF0];
	[tilespmem:s20+$0x70] =	vst v6  }
0x8b: {  	v6 =	vld [tilespmem:s12+$0x0];
	v9 =	vand.u32 $0xFFFF, v8;
	[tilespmem:s13+$0x410] =	vst v7  }
0x8c: {  	v7 =	vshrl.u32 v5, $0x10;
	v5 =	vand.u32 $0xFFFF, v5;
	v10 =	vld [tilespmem:s12+$0x10]  }
0x8d: {  	v11 =	vshrl.u32 v2, $0x10;
	v2 =	vand.u32 $0xFFFF, v2;
	v12 =	vld [tilespmem:s12+$0x20]  }
0x8e: {  	v13 =	vshrl.u32 v3, $0x10;
	v3 =	vand.u32 $0xFFFF, v3;
	v14 =	vld.idx.msk [tilespmem:v0+s29+$0x0], $0xffff  }
0x8f: {  	v15 =	vshrl.u32 v4, $0x10;
	v4 =	vand.u32 $0xFFFF, v4;
	v16 =	vld.idx.msk [tilespmem:v1+s29+$0x0], $0xffff  }
0x90: {  	s31 =	sadd.s32 $0x8, s31;
	s10 =	sadd.s32 $0x2000, s10;
	v17 =	vshrl.u32 v6, $0x10;
	v6 =	vand.u32 $0xFFFF, v6;
	v9 =	vld.idx.msk [tilespmem:v9+s29+$0x0], $0xffff  }
0x91: {  	s0 =	sshll.u32 s31, $0x5;
	p1 =	slt.u32 s31, $0x1F8;
	s13 =	sand.u32 $0x2000, s10;
	v5 =	vld.idx.msk [tilespmem:v5+s29+$0x0], $0xffff;
	v0 =	vshrl.u32 v10, $0x10;
	v10 =	vand.u32 $0xFFFF, v10  }
0x92: {  	s22 =	sadd.s32 $0x800, s22;
	s0 =	sand.u32 $0x3000, s0;
	v8 =	vshrl.u32 v8, $0x10;
	s13 =	sshrl.u32 s13, $0x2;
	v2 =	vld.idx.msk [tilespmem:v2+s29+$0x0], $0xffff;
	v1 =	vshrl.u32 v12, $0x10;
	v12 =	vand.u32 $0xFFFF, v12  }
0x93: {  	s14 =	sshll.u32 s31, $0x3;
	s23 =	sand.u32 $0x800, s22;
	s0 =	sadd.s32 $0xAC00, s0;
	v3 =	vld.idx.msk [tilespmem:v3+s29+$0x0], $0xffff  }
0x94: {  	s14 =	sand.u32 $0x380, s14;
	s13 =	sadd.s32 s13, s0;
	s0 =	sadd.s32 s23, s0;
	v4 =	vld.idx.msk [tilespmem:v4+s29+$0x0], $0xffff;
	[tilespmem:s20+$0x430] =	vst v14  }
0x95: {  	s13 =	sor.u32 s14, s13;
	v6 =	vld.idx.msk [tilespmem:v6+s29+$0x0], $0xffff;
	[tilespmem:s20+$0x450] =	vst v16;
	s20 =	sor.u32 s14, s0  }
0x96: {  	v10 =	vld.idx.msk [tilespmem:v10+s29+$0x0], $0xffff;
	[tilespmem:s20+$0x460] =	vst v9  }
0x97: {  	[tilespmem:s13+$0x0] =	vst v5;
	v8 =	vld.idx.msk [tilespmem:v8+s29+$0x0], $0xffff  }
0x98: {  	[tilespmem:s20+$0x20] =	vst v2;
	v5 =	vld.idx.msk [tilespmem:v12+s29+$0x0], $0xffff  }
.Ltmp0:
0x99: {  	v2 =	vld.idx.msk [tilespmem:v7+s29+$0x0], $0xffff;
	[tilespmem:s20+$0x40] =	vst v3;
	(pc) =	sbr.rel @p1 .LBB2_3-.Ltmp0, $4  }
0x9a: {  	v3 =	vld.idx.msk [tilespmem:v11+s29+$0x0], $0xffff;
	[tilespmem:s20+$0x60] =	vst v4  }
0x9b: {  	v4 =	vld.idx.msk [tilespmem:v13+s29+$0x0], $0xffff;
	[tilespmem:s13+$0x400] =	vst v6  }
0x9c: {  	v6 =	vld.idx.msk [tilespmem:v15+s29+$0x0], $0xffff;
	[tilespmem:s20+$0x420] =	vst v10  }
0x9d: {  	s12 =	sadd.s32 $0x80, s12;
	v7 =	vld.idx.msk [tilespmem:v17+s29+$0x0], $0xffff;
	[tilespmem:s20+$0x470] =	vst v8  }
0x9e: {  	_ =	sdelay $0x2  }
0x9f: {  	[tilespmem:s20+$0x440] =	vst v5  }
0xa0: {  	[tilespmem:s13+$0x10] =	vst v2;
	v0 =	vld.idx.msk [tilespmem:v0+s29+$0x0], $0xffff  }
0xa1: {  	[tilespmem:s20+$0x30] =	vst v3;
	v1 =	vld.idx.msk [tilespmem:v1+s29+$0x0], $0xffff  }
0xa2: {  	[tilespmem:s20+$0x50] =	vst v4  }
0xa3: {  	s0 =	sshll.u32 s9, $0x14;
	[tilespmem:s20+$0x70] =	vst v6  }
0xa4: {  	s0 =	sor.u32 s21, s0;
	[tilespmem:s13+$0x410] =	vst v7  }
0xa5: {  	s0 =	sshrl.u32 s0, $0x3;
	[tilespmem:s20+$0x430] =	vst v0  }
0xa6: {  	s0 =	sadd.s32 s2, s0;
	s13 =	smin.u32 s11, $0xBD;
	[tilespmem:s20+$0x450] =	vst v1  }
0xa7: {  	[hbm4b:s0+s3] =	stream.linear.scatter [tilespmem:s25], [sflag:$0x3], $0x4000, $0x38;
	[tilespmem:$0x12C00] =	vst v63  }
0xa8: {  	s0 =	sshll.u32 s13, $0x9  }
0xa9: {  	s0 =	sadd.s32 s26, s0  }
0xaa: {  	s0 =	sor.u32 s4, s0  }
0xab: {  	s0 =	smul.u32 $0x460, s0  }
0xac: {  	_ =	swait.ge [sflag:s8], $0x4600  }
0xad: {  	[sflag:s8] =	ssyncset.done $0x0;
	s0 =	sshrl.u32 s0, $0x3  }
0xae: {  	[sflag:s8] =	ssyncadd.s32 $0xFFFFBA00;
	s0 =	sadd.s32 s6, s0  }
0xaf: {  	[tilespmem:s29], [sflag:$0x1] =	stream.linear.gather [hbm4b:s0+s3], $0x460, $0x38;
	[tilespmem:$0x12C00] =	vst v63  }
0xb0: {  	s14 =	simm.s32 $0x2460;
	s10 =	sadd.s32 $0x8C0, s0  }
0xb1: {  	[tilespmem:s14], [sflag:$0x1] =	stream.linear.gather [hbm4b:s10+s3], $0x460, $0x38;
	[tilespmem:$0x12C00] =	vst v63  }
0xb2: {  	s22 =	simm.s32 $0x28C0;
	s20 =	sadd.s32 $0x1180, s0  }
0xb3: {  	[tilespmem:s22], [sflag:$0x1] =	stream.linear.gather [hbm4b:s20+s3], $0x460, $0x38;
	[tilespmem:$0x12C00] =	vst v63  }
0xb4: {  	s31 =	simm.s32 $0x2D20;
	s23 =	sadd.s32 $0x1A40, s0  }
0xb5: {  	[tilespmem:s31], [sflag:$0x1] =	stream.linear.gather [hbm4b:s23+s3], $0x460, $0x38;
	[tilespmem:$0x12C00] =	vst v63  }
0xb6: {  	s12 =	simm.s32 $0x3180;
	s11 =	sadd.s32 $0x2300, s0  }
0xb7: {  	[tilespmem:s12], [sflag:$0x1] =	stream.linear.gather [hbm4b:s11+s3], $0x460, $0x38;
	[tilespmem:$0x12C00] =	vst v63  }
0xb8: {  	s13 =	sadd.s32 $0x2BC0, s0;
	s14 =	simm.s32 $0x35E0  }
0xb9: {  	[tilespmem:s14], [sflag:$0x1] =	stream.linear.gather [hbm4b:s13+s3], $0x460, $0x38;
	[tilespmem:$0x12C00] =	vst v63  }
0xba: {  	s20 =	sadd.s32 $0x3480, s0;
	s22 =	simm.s32 $0x3A40  }
0xbb: {  	[tilespmem:s22], [sflag:$0x1] =	stream.linear.gather [hbm4b:s20+s3], $0x460, $0x38;
	[tilespmem:$0x12C00] =	vst v63  }
0xbc: {  	s23 =	sadd.s32 $0x3D40, s0;
	s31 =	simm.s32 $0x3EA0  }
0xbd: {  	[tilespmem:s31], [sflag:$0x1] =	stream.linear.gather [hbm4b:s23+s3], $0x460, $0x38;
	[tilespmem:$0x12C00] =	vst v63  }
0xbe: {  	s11 =	sadd.s32 $0x4600, s0;
	s12 =	simm.s32 $0x4300  }
0xbf: {  	[tilespmem:s12], [sflag:$0x1] =	stream.linear.gather [hbm4b:s11+s3], $0x460, $0x38;
	[tilespmem:$0x12C00] =	vst v63  }
0xc0: {  	s13 =	sadd.s32 $0x4EC0, s0;
	s14 =	simm.s32 $0x4760  }
0xc1: {  	[tilespmem:s14], [sflag:$0x1] =	stream.linear.gather [hbm4b:s13+s3], $0x460, $0x38;
	[tilespmem:$0x12C00] =	vst v63  }
0xc2: {  	s20 =	sadd.s32 $0x5780, s0;
	s22 =	simm.s32 $0x4BC0  }
0xc3: {  	[tilespmem:s22], [sflag:$0x1] =	stream.linear.gather [hbm4b:s20+s3], $0x460, $0x38;
	[tilespmem:$0x12C00] =	vst v63  }
0xc4: {  	s23 =	sadd.s32 $0x6040, s0;
	s31 =	simm.s32 $0x5020  }
0xc5: {  	[tilespmem:s31], [sflag:$0x1] =	stream.linear.gather [hbm4b:s23+s3], $0x460, $0x38;
	[tilespmem:$0x12C00] =	vst v63  }
0xc6: {  	s11 =	sadd.s32 $0x6900, s0;
	s12 =	simm.s32 $0x5480  }
0xc7: {  	[tilespmem:s12], [sflag:$0x1] =	stream.linear.gather [hbm4b:s11+s3], $0x460, $0x38;
	[tilespmem:$0x12C00] =	vst v63  }
0xc8: {  	s13 =	sadd.s32 $0x71C0, s0  }
0xc9: {  	[tilespmem:s15], [sflag:$0x1] =	stream.linear.gather [hbm4b:s13+s3], $0x460, $0x38;
	[tilespmem:$0x12C00] =	vst v63  }
0xca: {  	s14 =	sadd.s32 $0x7A80, s0  }
0xcb: {  	[tilespmem:s16], [sflag:$0x1] =	stream.linear.gather [hbm4b:s14+s3], $0x460, $0x38;
	[tilespmem:$0x12C00] =	vst v63  }
0xcc: {  	s0 =	sadd.s32 $0x8340, s0  }
0xcd: {  	[tilespmem:s17], [sflag:$0x1] =	stream.linear.gather [hbm4b:s0+s3], $0x460, $0x38;
	[tilespmem:$0x12C00] =	vst v63  }
0xce: {  	s0 =	simm.s32 @!p0 $0x4  }
0xcf: {  	_ =	swait.ge @!p0 [sflag:s0], $0x4000  }
0xd0: {  	[sflag:s0] =	ssyncset.done @!p0 $0x0  }
0xd1: {  	s20 =	simm.s32 $0x40;
	[sflag:s0] =	ssyncadd.s32 @!p0 $0xFFFFC000  }
0xd2: {  	v0 =	vld [tilespmem:s20+$0x30]  }
0xd3: {  	v1 =	vld [tilespmem:s20+$0xFFFFFFC0]  }
0xd4: {  	v2 =	vld [tilespmem:s20+$0xFFFFFFD0]  }
0xd5: {  	v3 =	vld [tilespmem:s20+$0xFFFFFFE0]  }
0xd6: {  	v4 =	vld [tilespmem:s20+$0xFFFFFFF0]  }
0xd7: {  	v5 =	vld [tilespmem:s20+$0x0];
	v6 =	vand.u32 $0xFFFF, v0  }
0xd8: {  	v8 =	vld [tilespmem:s20+$0x10];
	v7 =	vand.u32 $0xFFFF, v1  }
0xd9: {  	v10 =	vld [tilespmem:s20+$0x20];
	v9 =	vand.u32 $0xFFFF, v2  }
0xda: {  	v11 =	vand.u32 $0xFFFF, v3  }
0xdb: {  	v12 =	vand.u32 $0xFFFF, v4  }
0xdc: {  	v13 =	vand.u32 $0xFFFF, v5;
	v6 =	vld.idx.msk [tilespmem:v6+s19+$0x0], $0xffff  }
0xdd: {  	s10 =	simm.s32 $0x0;
	s22 =	simm.s32 $0x0;
	v14 =	vand.u32 $0xFFFF, v8;
	v7 =	vld.idx.msk [tilespmem:v7+s19+$0x0], $0xffff  }
0xde: {  	s23 =	sand.u32 $0x2000, s10;
	s0 =	sand.u32 $0x3000, s22;
	v15 =	vand.u32 $0xFFFF, v10;
	v9 =	vld.idx.msk [tilespmem:v9+s19+$0x0], $0xffff  }
0xdf: {  	s31 =	sand.u32 $0x800, s10;
	s12 =	simm.s32 $0x0;
	s0 =	sadd.s32 $0xEC00, s0;
	v0 =	vshrl.u32 v0, $0x10;
	v11 =	vld.idx.msk [tilespmem:v11+s19+$0x0], $0xffff  }
0xe0: {  	s11 =	sshrl.u32 s23, $0x2;
	s12 =	sand.u32 $0x380, s12;
	s13 =	sadd.s32 s31, s0;
	v1 =	vshrl.u32 v1, $0x10;
	v12 =	vld.idx.msk [tilespmem:v12+s19+$0x0], $0xffff  }
0xe1: {  	s0 =	sadd.s32 s11, s0;
	s20 =	sor.u32 s12, s13;
	v16 =	vshrl.u32 v2, $0x10;
	v13 =	vld.idx.msk [tilespmem:v13+s19+$0x0], $0xffff  }
0xe2: {  	s13 =	sor.u32 s12, s0;
	v17 =	vshrl.u32 v3, $0x10;
	v14 =	vld.idx.msk [tilespmem:v14+s19+$0x0], $0xffff;
	[tilespmem:s20+$0x460] =	vst v6  }
0xe3: {  	v6 =	vshrl.u32 v4, $0x10;
	[tilespmem:s13+$0x0] =	vst v7;
	v7 =	vshrl.u32 v5, $0x10;
	v5 =	vld.idx.msk [tilespmem:v15+s19+$0x0], $0xffff  }
0xe4: {  	[tilespmem:s20+$0x20] =	vst v9;
	v18 =	vld.idx.msk [tilespmem:v0+s19+$0x0], $0xffff  }
0xe5: {  	[tilespmem:s20+$0x40] =	vst v11;
	v2 =	vld.idx.msk [tilespmem:v1+s19+$0x0], $0xffff  }
0xe6: {  	[tilespmem:s20+$0x60] =	vst v12;
	v3 =	vld.idx.msk [tilespmem:v16+s19+$0x0], $0xffff  }
0xe7: {  	[tilespmem:s13+$0x400] =	vst v13;
	v4 =	vld.idx.msk [tilespmem:v17+s19+$0x0], $0xffff  }
0xe8: {  	[tilespmem:s20+$0x420] =	vst v14;
	v6 =	vld.idx.msk [tilespmem:v6+s19+$0x0], $0xffff  }
0xe9: {  	s22 =	simm.s32 $0x0;
	s11 =	simm.s32 $0x0;
	s12 =	simm.s32 $0xC0;
	v0 =	vshrl.u32 v8, $0x10;
	v1 =	vshrl.u32 v10, $0x10;
	v7 =	vld.idx.msk [tilespmem:v7+s19+$0x0], $0xffff;
	[tilespmem:s20+$0x470] =	vst v18  }
.LBB2_5:
0xea: {  	v8 =	vld [tilespmem:s12+$0x30];
	[tilespmem:s20+$0x440] =	vst v5  }
0xeb: {  	v5 =	vld [tilespmem:s12+$0xFFFFFFC0];
	[tilespmem:s13+$0x10] =	vst v2  }
0xec: {  	v2 =	vld [tilespmem:s12+$0xFFFFFFD0];
	[tilespmem:s20+$0x30] =	vst v3  }
0xed: {  	v3 =	vld [tilespmem:s12+$0xFFFFFFE0];
	[tilespmem:s20+$0x50] =	vst v4  }
0xee: {  	v4 =	vld [tilespmem:s12+$0xFFFFFFF0];
	[tilespmem:s20+$0x70] =	vst v6  }
0xef: {  	v6 =	vld [tilespmem:s12+$0x0];
	v9 =	vand.u32 $0xFFFF, v8;
	[tilespmem:s13+$0x410] =	vst v7  }
0xf0: {  	v7 =	vshrl.u32 v5, $0x10;
	v5 =	vand.u32 $0xFFFF, v5;
	v10 =	vld [tilespmem:s12+$0x10]  }
0xf1: {  	v11 =	vshrl.u32 v2, $0x10;
	v2 =	vand.u32 $0xFFFF, v2;
	v12 =	vld [tilespmem:s12+$0x20]  }
0xf2: {  	v13 =	vshrl.u32 v3, $0x10;
	v3 =	vand.u32 $0xFFFF, v3;
	v14 =	vld.idx.msk [tilespmem:v0+s19+$0x0], $0xffff  }
0xf3: {  	v15 =	vshrl.u32 v4, $0x10;
	v4 =	vand.u32 $0xFFFF, v4;
	v16 =	vld.idx.msk [tilespmem:v1+s19+$0x0], $0xffff  }
0xf4: {  	s11 =	sadd.s32 $0x8, s11;
	s10 =	sadd.s32 $0x2000, s10;
	v17 =	vshrl.u32 v6, $0x10;
	v6 =	vand.u32 $0xFFFF, v6;
	v9 =	vld.idx.msk [tilespmem:v9+s19+$0x0], $0xffff  }
0xf5: {  	s0 =	sand.u32 $0x2000, s10;
	p0 =	slt.u32 s11, $0x1F8;
	s13 =	sshll.u32 s11, $0x5;
	v5 =	vld.idx.msk [tilespmem:v5+s19+$0x0], $0xffff;
	v0 =	vshrl.u32 v10, $0x10;
	v10 =	vand.u32 $0xFFFF, v10  }
0xf6: {  	s22 =	sadd.s32 $0x800, s22;
	s0 =	sshrl.u32 s0, $0x2;
	v8 =	vshrl.u32 v8, $0x10;
	s13 =	sand.u32 $0x3000, s13;
	v2 =	vld.idx.msk [tilespmem:v2+s19+$0x0], $0xffff;
	v1 =	vshrl.u32 v12, $0x10;
	v12 =	vand.u32 $0xFFFF, v12  }
0xf7: {  	s14 =	sshll.u32 s11, $0x3;
	s23 =	sand.u32 $0x800, s22;
	s13 =	sadd.s32 $0xEC00, s13;
	v3 =	vld.idx.msk [tilespmem:v3+s19+$0x0], $0xffff  }
0xf8: {  	s14 =	sand.u32 $0x380, s14;
	s0 =	sadd.s32 s0, s13;
	s23 =	sadd.s32 s23, s13;
	v4 =	vld.idx.msk [tilespmem:v4+s19+$0x0], $0xffff;
	[tilespmem:s20+$0x430] =	vst v14  }
0xf9: {  	s13 =	sor.u32 s14, s0;
	v6 =	vld.idx.msk [tilespmem:v6+s19+$0x0], $0xffff;
	[tilespmem:s20+$0x450] =	vst v16;
	s20 =	sor.u32 s14, s23  }
0xfa: {  	v10 =	vld.idx.msk [tilespmem:v10+s19+$0x0], $0xffff;
	[tilespmem:s20+$0x460] =	vst v9  }
0xfb: {  	[tilespmem:s13+$0x0] =	vst v5;
	v8 =	vld.idx.msk [tilespmem:v8+s19+$0x0], $0xffff  }
0xfc: {  	[tilespmem:s20+$0x20] =	vst v2;
	v5 =	vld.idx.msk [tilespmem:v12+s19+$0x0], $0xffff  }
.Ltmp1:
0xfd: {  	v2 =	vld.idx.msk [tilespmem:v7+s19+$0x0], $0xffff;
	[tilespmem:s20+$0x40] =	vst v3;
	(pc) =	sbr.rel @p0 .LBB2_5-.Ltmp1, $4  }
0xfe: {  	v3 =	vld.idx.msk [tilespmem:v11+s19+$0x0], $0xffff;
	[tilespmem:s20+$0x60] =	vst v4  }
0xff: {  	v4 =	vld.idx.msk [tilespmem:v13+s19+$0x0], $0xffff;
	[tilespmem:s13+$0x400] =	vst v6  }
0x100: {  	v6 =	vld.idx.msk [tilespmem:v15+s19+$0x0], $0xffff;
	[tilespmem:s20+$0x420] =	vst v10  }
0x101: {  	s12 =	sadd.s32 $0x80, s12;
	v7 =	vld.idx.msk [tilespmem:v17+s19+$0x0], $0xffff;
	[tilespmem:s20+$0x470] =	vst v8  }
0x102: {  	_ =	sdelay $0x2  }
0x103: {  	[tilespmem:s20+$0x440] =	vst v5  }
0x104: {  	[tilespmem:s13+$0x10] =	vst v2;
	v0 =	vld.idx.msk [tilespmem:v0+s19+$0x0], $0xffff  }
0x105: {  	s9 =	sadd.s32 $0x1, s9;
	[tilespmem:s20+$0x30] =	vst v3;
	v1 =	vld.idx.msk [tilespmem:v1+s19+$0x0], $0xffff  }
0x106: {  	p0 =	sne.s32 s9, $0x60;
	[tilespmem:s20+$0x50] =	vst v4  }
.Ltmp2:
0x107: {  	s0 =	sshll.u32 s30, $0x13;
	[tilespmem:s20+$0x70] =	vst v6;
	(pc) =	sbr.rel @p0 .LBB2_2-.Ltmp2, $4  }
0x108: {  	s0 =	sor.u32 s21, s0;
	[tilespmem:s13+$0x410] =	vst v7  }
0x109: {  	s0 =	sshrl.u32 s0, $0x3;
	[tilespmem:s20+$0x430] =	vst v0  }
0x10a: {  	s0 =	sadd.s32 s2, s0;
	[tilespmem:s20+$0x450] =	vst v1  }
0x10b: {  	[hbm4b:s0+s3] =	stream.linear.scatter [tilespmem:s28], [sflag:$0x4], $0x4000, $0x38;
	[tilespmem:$0x12C00] =	vst v63  }
0x10c: {  	_ =	swait.ge [sflag:s18], $0x4600  }
0x10d: {  	[sflag:s18] =	ssyncset.done $0x0  }
0x10e: {  	s0 =	simm.s32 $0x3;
	[sflag:s18] =	ssyncadd.s32 $0xFFFFBA00  }
0x10f: {  	_ =	swait.ge [sflag:s0], $0x4000  }
0x110: {  	[sflag:s0] =	ssyncset.done $0x0  }
0x111: {  	s9 =	simm.s32 $0x4;
	[sflag:s0] =	ssyncadd.s32 $0xFFFFC000  }
0x112: {  	_ =	swait.ge [sflag:s9], $0x4000  }
0x113: {  	s10 =	rddreg [dreg:$0x15]  }
0x114: {  	s31 =	rddreg [dreg:$0x14];
	s10 =	sadd.s32 $0x1, s10  }
0x115: {  	p0 =	sne.s32 s10, s31  }
.Ltmp3:
0x116: {  	_ = 	snop;
	(pc) =	sbr.rel @p0 .LBB2_1-.Ltmp3, $3  }
0x117: {  	_ =	sdelay $0x1  }
0x118: {  	[sflag:s9] =	ssyncset.done $0x0  }
0x119: {  	[sflag:s9] =	ssyncadd.s32 $0xFFFFC000  }
0x11a: {  	_ =	sfence.sel $0x180000  }
0x11b: {  	[bflag:$0x0] =	sbarrier.arrive $0xFFFF  }
0x11c: {  	_ =	strace $0x9000004A  }
0x11d: {  	s0 =	stileid.u32;
	[bflag:$0x2] =	sbarrier.arrive $0xFFFF  }
0x11e: {  	p0 =	sne.s32 s0, $0x0;
	s0 =	rddreg [dreg:$0x2]  }
0x11f: {  	s0 =	sadd.s32 @!p0 $0x100000, s0  }
0x120: {  	[sflag:s0] =	ssyncadd.tile.s32 @!p0 $0x1;
	_ =	shalt  }
.Lfunc_end2:
_tile_overlayer_lowered:
.L_overlay_start_2:
0x121: {  	(tag) =	ssettag $0x2  }
0x122: {  	s0 =	rddreg [dreg:$0x0];
	s2 =	stileid.u32  }
0x123: {  	s1 =	rddreg [dreg:$0x1];
	p0 =	sne.s32 s2, $0x0  }
0x124: {  	s3 =	rddreg [dreg:$0x2];
	[bflag:$0x3] =	sbarrier.arrive $0xFFFF;
	s2 =	simm.s32 @!p0 $0x1C05  }
0x125: {  	[timem:s3], [sflag:s2] =	dma.local @!p0 [hbm:s0], s1  }
0x126: {  	s0 =	simm.s32 @!p0 $0x5  }
0x127: {  	_ =	swait.ge @!p0 [sflag:s0], s1  }
0x128: {  	s1 =	ssub.s32 @!p0 $0x0, s1;
	[sflag:s0] =	ssyncset.done @!p0 $0x0  }
0x129: {  	[sflag:s0] =	ssyncadd.s32 @!p0 s1  }
0x12a: {  	[bflag:$0x3] =	sbarrier.arrive $0xFFFF  }
0x12b: {  	_ =	shalt  }

</sc_bundles>
